<compile_context>
chip_gen: v7x
topology: tpu7x:2x2x1
jax: 0.10.2.dev20260603
libtpu: 0.0.44.dev20260713+nightly
codegen_flags: <defaults>
</compile_context>

<pallas_src>
import functools

import jax
import jax.numpy as jnp
from jax import lax
from jax.experimental import pallas as pl
from jax.experimental.pallas import tpu as pltpu
from jax.experimental.pallas import tpu_sc as plsc

T = 8192
D = 4096
K = 8
E = 64
BT = 512
_NC = 1
_NS = 16
_NW = _NC * _NS
_TPW = T // _NW
_L = 16


def _eff_body(idx_hbm, gate_hbm, scales_hbm, out_hbm,
              scales_v, idx_v, gate_v, eff_v, sem_s, sem_i, sem_g):
    wid = lax.axis_index("s") * _NC + lax.axis_index("c")
    base = wid * _TPW
    cp_s = pltpu.async_copy(scales_hbm, scales_v, sem_s)
    cp_i = pltpu.async_copy(idx_hbm.at[:, pl.ds(base, _TPW)], idx_v, sem_i)
    cp_g = pltpu.async_copy(gate_hbm.at[:, pl.ds(base, _TPW)], gate_v, sem_g)
    cp_s.wait()
    cp_i.wait()
    cp_g.wait()

    def body(c, _):
        acc = jnp.zeros((_L,), jnp.float32)
        for k in range(K):
            i16 = idx_v[k, pl.ds(c * _L, _L)]
            g16 = gate_v[k, pl.ds(c * _L, _L)]
            acc = acc + g16 * plsc.load_gather(scales_v, [i16])
        eff_v[pl.ds(c * _L, _L)] = acc
        return _

    lax.fori_loop(0, _TPW // _L, body, None, unroll=4)
    pltpu.sync_copy(eff_v, out_hbm.at[pl.ds(base, _TPW)])


@functools.cache
def _eff_kernel():
    return functools.partial(
        pl.kernel,
        mesh=plsc.VectorSubcoreMesh(
            core_axis_name="c", subcore_axis_name="s", num_cores=1),
        out_type=jax.ShapeDtypeStruct((T,), jnp.float32),
        scratch_types=[
            pltpu.VMEM((E,), jnp.float32),
            pltpu.VMEM((K, _TPW), jnp.int32),
            pltpu.VMEM((K, _TPW), jnp.float32),
            pltpu.VMEM((_TPW,), jnp.float32),
            pltpu.SemaphoreType.DMA,
            pltpu.SemaphoreType.DMA,
            pltpu.SemaphoreType.DMA,
        ],
        compiler_params=pltpu.CompilerParams(needs_layout_passes=False),
    )(_eff_body)


def _scale_body(eff_ref, h_ref, out_ref):
    i = pl.program_id(0)
    e = eff_ref[pl.ds(i * (BT // 128), BT // 128), :]
    ii = lax.broadcasted_iota(jnp.int32, (128, 128), 0)
    jj = lax.broadcasted_iota(jnp.int32, (128, 128), 1)
    ident = (ii == jj).astype(jnp.float32)
    cols = lax.dot_general(ident, e, (((1,), (1,)), ((), ())),
                           precision=lax.Precision.HIGHEST,
                           preferred_element_type=jnp.float32)
    for a in range(BT // 128):
        out_ref[pl.ds(a * 128, 128), :] = (
            cols[:, a : a + 1] * h_ref[pl.ds(a * 128, 128), :]
        )


@jax.jit
def kernel(h, top_k_experts, expert_gate, scales):
    idx_t = top_k_experts.astype(jnp.int32).T
    gate_t = expert_gate.T
    eff = _eff_kernel()(idx_t, gate_t, scales)
    eff2 = eff.reshape(T // 128, 128)
    return pl.pallas_call(
        _scale_body,
        grid=(T // BT,),
        in_specs=[
            pl.BlockSpec((T // 128, 128), lambda i: (0, 0)),
            pl.BlockSpec((BT, D), lambda i: (i, 0)),
        ],
        out_specs=pl.BlockSpec((BT, D), lambda i: (i, 0)),
        out_shape=jax.ShapeDtypeStruct((T, D), jnp.float32),
    )(eff2, h)

# --- scband reference (transcript-rebuilt; emitter-appended) ---
"""Pipeline reference for scband-fake-experts-39230231282419 (READ-ONLY COPY).

The authoritative reference and input builder live on the scoring server;
editing this copy changes nothing except your own understanding.
"""

import jax, jax.numpy as jnp
import numpy as np

T = 8192
D = 4096
K = 8
E = 64


def setup_inputs(seed: int = 0) -> dict:
    key = jax.random.key(seed)
    k1, k2, k3 = jax.random.split(key, 3)
    h = jax.random.normal(k1, (T, D), dtype=jnp.float32)
    top_k_experts = jax.random.randint(k2, (T, K), 0, E, dtype=jnp.int64) if jax.config.jax_enable_x64 else jax.random.randint(k2, (T, K), 0, E, dtype=jnp.int32)
    expert_gate = jax.random.uniform(k3, (T, K), dtype=jnp.float32)
    scales = (0.5 + 0.02 * jnp.arange(E)).astype(jnp.float32)
    return {"h": h, "top_k_experts": top_k_experts, "expert_gate": expert_gate, "scales": scales}


def reference(h, top_k_experts, expert_gate, scales):
    # expert_e(x) = scale_e * x; effective output is sum_k gate_k * scale_{e_k} * x
    chosen_scales = jnp.take(scales, top_k_experts, axis=0)          # [T, K] gather
    eff_scale = (expert_gate * chosen_scales).sum(axis=1)            # [T]
    return eff_scale[:, None] * h                                    # [T, D]

if __name__ == "__main__":
    import jax
    _d = setup_inputs()
    print(jax.jit(kernel)(*tuple(_d.values())))

</pallas_src>

<mosaic_0001>
#map = affine_map<(d0, d1) -> (0, 0)>
#map1 = affine_map<(d0, d1) -> (0)>
module attributes {stable_mosaic.version = 14 : i64} {
  func.func @_eff_body(%arg0: i32, %arg1: i32, %arg2: memref<8x8192xi32, #tpu.memory_space<hbm>>, %arg3: memref<8x8192xf32, #tpu.memory_space<hbm>>, %arg4: memref<64xf32, #tpu.memory_space<hbm>>, %arg5: memref<8192xf32, #tpu.memory_space<hbm>>, %arg6: memref<64xf32, #tpu.memory_space<vmem>>, %arg7: memref<8x512xi32, #tpu.memory_space<vmem>>, %arg8: memref<8x512xf32, #tpu.memory_space<vmem>>, %arg9: memref<512xf32, #tpu.memory_space<vmem>>, %arg10: memref<!tpu.dma_semaphore, #tpu.memory_space<semaphore_mem>>, %arg11: memref<!tpu.dma_semaphore, #tpu.memory_space<semaphore_mem>>, %arg12: memref<!tpu.dma_semaphore, #tpu.memory_space<semaphore_mem>>) attributes {dimension_semantics = [#tpu.dimension_semantics<core_parallel>, #tpu.dimension_semantics<subcore_parallel>], iteration_bounds = array<i64: 1, 16>, scalar_prefetch = 0 : i64, scratch_operands = 7 : i64, tpu.core_type = #tpu.core_type<sc_vector_subcore>, window_params = [{transform_indices = #map}, {transform_indices = #map}, {transform_indices = #map1}, {transform_indices = #map1}]} {
    %mul3A = arith.constant 1 : i32
    %mul3A_0 = arith.muli %arg1, %mul3A : i32
    %add3A = arith.addi %mul3A_0, %arg0 : i32
    %mul3A_1 = arith.constant 512 : i32
    %mul3A_2 = arith.muli %add3A, %mul3A_1 : i32
    tpu.enqueue_dma source(%arg4 : memref<64xf32, #tpu.memory_space<hbm>>) target(%arg6 : memref<64xf32, #tpu.memory_space<vmem>>) target_semaphore(%arg10 : memref<!tpu.dma_semaphore, #tpu.memory_space<semaphore_mem>>)
    %dma_start3A = arith.constant 0 : i32
    %dma_start3A_3 = tpu.memref_slice %arg2[%dma_start3A, %mul3A_2] : memref<8x8192xi32, #tpu.memory_space<hbm>> -> memref<8x512xi32, #tpu.memory_space<hbm>>
    %dma_start3A_4 = arith.constant 0 : i32
    %dma_start3A_5 = tpu.memref_slice %arg2[%dma_start3A_4, %mul3A_2] : memref<8x8192xi32, #tpu.memory_space<hbm>> -> memref<8x512xi32, #tpu.memory_space<hbm>>
    tpu.enqueue_dma source(%dma_start3A_5 : memref<8x512xi32, #tpu.memory_space<hbm>>) target(%arg7 : memref<8x512xi32, #tpu.memory_space<vmem>>) target_semaphore(%arg11 : memref<!tpu.dma_semaphore, #tpu.memory_space<semaphore_mem>>)
    %dma_start3A_6 = arith.constant 0 : i32
    %dma_start3A_7 = tpu.memref_slice %arg3[%dma_start3A_6, %mul3A_2] : memref<8x8192xf32, #tpu.memory_space<hbm>> -> memref<8x512xf32, #tpu.memory_space<hbm>>
    %dma_start3A_8 = arith.constant 0 : i32
    %dma_start3A_9 = tpu.memref_slice %arg3[%dma_start3A_8, %mul3A_2] : memref<8x8192xf32, #tpu.memory_space<hbm>> -> memref<8x512xf32, #tpu.memory_space<hbm>>
    tpu.enqueue_dma source(%dma_start3A_9 : memref<8x512xf32, #tpu.memory_space<hbm>>) target(%arg8 : memref<8x512xf32, #tpu.memory_space<vmem>>) target_semaphore(%arg12 : memref<!tpu.dma_semaphore, #tpu.memory_space<semaphore_mem>>)
    tpu.wait_dma2 semaphore(%arg10 : memref<!tpu.dma_semaphore, #tpu.memory_space<semaphore_mem>>) src(%arg4 : memref<64xf32, #tpu.memory_space<hbm>>) dst(%arg6 : memref<64xf32, #tpu.memory_space<vmem>>)
    %dma_wait3A = arith.constant 0 : i32
    %dma_wait3A_10 = tpu.memref_slice %arg2[%dma_wait3A, %mul3A_2] : memref<8x8192xi32, #tpu.memory_space<hbm>> -> memref<8x512xi32, #tpu.memory_space<hbm>>
    %dma_wait3A_11 = arith.constant 0 : i32
    %dma_wait3A_12 = tpu.memref_slice %arg2[%dma_wait3A_11, %mul3A_2] : memref<8x8192xi32, #tpu.memory_space<hbm>> -> memref<8x512xi32, #tpu.memory_space<hbm>>
    tpu.wait_dma2 semaphore(%arg11 : memref<!tpu.dma_semaphore, #tpu.memory_space<semaphore_mem>>) src(%dma_wait3A_12 : memref<8x512xi32, #tpu.memory_space<hbm>>) dst(%arg7 : memref<8x512xi32, #tpu.memory_space<vmem>>)
    %dma_wait3A_13 = arith.constant 0 : i32
    %dma_wait3A_14 = tpu.memref_slice %arg3[%dma_wait3A_13, %mul3A_2] : memref<8x8192xf32, #tpu.memory_space<hbm>> -> memref<8x512xf32, #tpu.memory_space<hbm>>
    %dma_wait3A_15 = arith.constant 0 : i32
    %dma_wait3A_16 = tpu.memref_slice %arg3[%dma_wait3A_15, %mul3A_2] : memref<8x8192xf32, #tpu.memory_space<hbm>> -> memref<8x512xf32, #tpu.memory_space<hbm>>
    tpu.wait_dma2 semaphore(%arg12 : memref<!tpu.dma_semaphore, #tpu.memory_space<semaphore_mem>>) src(%dma_wait3A_16 : memref<8x512xf32, #tpu.memory_space<hbm>>) dst(%arg8 : memref<8x512xf32, #tpu.memory_space<vmem>>)
    %scan3A = arith.constant 0 : i32
    %scan3A_17 = arith.constant 32 : i32
    %scan3A_18 = arith.addi %scan3A, %scan3A_17 : i32
    %scan3A_19 = arith.constant 4 : i32
    scf.for %scan3A_21 = %scan3A to %scan3A_18 step %scan3A_19  : i32 {
      %broadcast_in_dim3A = arith.constant 0.000000e+00 : f32
      %broadcast_in_dim3A_22 = vector.broadcast %broadcast_in_dim3A : f32 to vector<16xf32>
      %mul3A_23 = arith.constant 16 : i32
      %mul3A_24 = arith.muli %scan3A_21, %mul3A_23 : i32
      %get3A = arith.constant 0 : i32
      %get3A_25 = arith.index_cast %get3A : i32 to index
      %get3A_26 = arith.index_cast %mul3A_24 : i32 to index
      %get3A_27 = tpu.vector_load %arg7[%get3A_25, %get3A_26] {strides = array<i32>} : memref<8x512xi32, #tpu.memory_space<vmem>>, vector<16xi32>,
      %mul3A_28 = arith.constant 16 : i32
      %mul3A_29 = arith.muli %scan3A_21, %mul3A_28 : i32
      %get3A_30 = arith.constant 0 : i32
      %get3A_31 = arith.index_cast %get3A_30 : i32 to index
      %get3A_32 = arith.index_cast %mul3A_29 : i32 to index
      %get3A_33 = tpu.vector_load %arg8[%get3A_31, %get3A_32] {strides = array<i32>} : memref<8x512xf32, #tpu.memory_space<vmem>>, vector<16xf32>,
      %gather3A = tpu.vector_load_idx %arg6[%get3A_27] : memref<64xf32, #tpu.memory_space<vmem>>[vector<16xi32>], vector<16xf32>,
      %mul3A_34 = arith.mulf %get3A_33, %gather3A : vector<16xf32>
      %add3A_35 = arith.addf %broadcast_in_dim3A_22, %mul3A_34 : vector<16xf32>
      %mul3A_36 = arith.constant 16 : i32
      %mul3A_37 = arith.muli %scan3A_21, %mul3A_36 : i32
      %get3A_38 = arith.constant 1 : i32
      %get3A_39 = arith.index_cast %get3A_38 : i32 to index
      %get3A_40 = arith.index_cast %mul3A_37 : i32 to index
      %get3A_41 = tpu.vector_load %arg7[%get3A_39, %get3A_40] {strides = array<i32>} : memref<8x512xi32, #tpu.memory_space<vmem>>, vector<16xi32>,
      %mul3A_42 = arith.constant 16 : i32
      %mul3A_43 = arith.muli %scan3A_21, %mul3A_42 : i32
      %get3A_44 = arith.constant 1 : i32
      %get3A_45 = arith.index_cast %get3A_44 : i32 to index
      %get3A_46 = arith.index_cast %mul3A_43 : i32 to index
      %get3A_47 = tpu.vector_load %arg8[%get3A_45, %get3A_46] {strides = array<i32>} : memref<8x512xf32, #tpu.memory_space<vmem>>, vector<16xf32>,
      %gather3A_48 = tpu.vector_load_idx %arg6[%get3A_41] : memref<64xf32, #tpu.memory_space<vmem>>[vector<16xi32>], vector<16xf32>,
      %mul3A_49 = arith.mulf %get3A_47, %gather3A_48 : vector<16xf32>
      %add3A_50 = arith.addf %add3A_35, %mul3A_49 : vector<16xf32>
      %mul3A_51 = arith.constant 16 : i32
      %mul3A_52 = arith.muli %scan3A_21, %mul3A_51 : i32
      %get3A_53 = arith.constant 2 : i32
      %get3A_54 = arith.index_cast %get3A_53 : i32 to index
      %get3A_55 = arith.index_cast %mul3A_52 : i32 to index
      %get3A_56 = tpu.vector_load %arg7[%get3A_54, %get3A_55] {strides = array<i32>} : memref<8x512xi32, #tpu.memory_space<vmem>>, vector<16xi32>,
      %mul3A_57 = arith.constant 16 : i32
      %mul3A_58 = arith.muli %scan3A_21, %mul3A_57 : i32
      %get3A_59 = arith.constant 2 : i32
      %get3A_60 = arith.index_cast %get3A_59 : i32 to index
      %get3A_61 = arith.index_cast %mul3A_58 : i32 to index
      %get3A_62 = tpu.vector_load %arg8[%get3A_60, %get3A_61] {strides = array<i32>} : memref<8x512xf32, #tpu.memory_space<vmem>>, vector<16xf32>,
      %gather3A_63 = tpu.vector_load_idx %arg6[%get3A_56] : memref<64xf32, #tpu.memory_space<vmem>>[vector<16xi32>], vector<16xf32>,
      %mul3A_64 = arith.mulf %get3A_62, %gather3A_63 : vector<16xf32>
      %add3A_65 = arith.addf %add3A_50, %mul3A_64 : vector<16xf32>
      %mul3A_66 = arith.constant 16 : i32
      %mul3A_67 = arith.muli %scan3A_21, %mul3A_66 : i32
      %get3A_68 = arith.constant 3 : i32
      %get3A_69 = arith.index_cast %get3A_68 : i32 to index
      %get3A_70 = arith.index_cast %mul3A_67 : i32 to index
      %get3A_71 = tpu.vector_load %arg7[%get3A_69, %get3A_70] {strides = array<i32>} : memref<8x512xi32, #tpu.memory_space<vmem>>, vector<16xi32>,
      %mul3A_72 = arith.constant 16 : i32
      %mul3A_73 = arith.muli %scan3A_21, %mul3A_72 : i32
      %get3A_74 = arith.constant 3 : i32
      %get3A_75 = arith.index_cast %get3A_74 : i32 to index
      %get3A_76 = arith.index_cast %mul3A_73 : i32 to index
      %get3A_77 = tpu.vector_load %arg8[%get3A_75, %get3A_76] {strides = array<i32>} : memref<8x512xf32, #tpu.memory_space<vmem>>, vector<16xf32>,
      %gather3A_78 = tpu.vector_load_idx %arg6[%get3A_71] : memref<64xf32, #tpu.memory_space<vmem>>[vector<16xi32>], vector<16xf32>,
      %mul3A_79 = arith.mulf %get3A_77, %gather3A_78 : vector<16xf32>
      %add3A_80 = arith.addf %add3A_65, %mul3A_79 : vector<16xf32>
      %mul3A_81 = arith.constant 16 : i32
      %mul3A_82 = arith.muli %scan3A_21, %mul3A_81 : i32
      %get3A_83 = arith.constant 4 : i32
      %get3A_84 = arith.index_cast %get3A_83 : i32 to index
      %get3A_85 = arith.index_cast %mul3A_82 : i32 to index
      %get3A_86 = tpu.vector_load %arg7[%get3A_84, %get3A_85] {strides = array<i32>} : memref<8x512xi32, #tpu.memory_space<vmem>>, vector<16xi32>,
      %mul3A_87 = arith.constant 16 : i32
      %mul3A_88 = arith.muli %scan3A_21, %mul3A_87 : i32
      %get3A_89 = arith.constant 4 : i32
      %get3A_90 = arith.index_cast %get3A_89 : i32 to index
      %get3A_91 = arith.index_cast %mul3A_88 : i32 to index
      %get3A_92 = tpu.vector_load %arg8[%get3A_90, %get3A_91] {strides = array<i32>} : memref<8x512xf32, #tpu.memory_space<vmem>>, vector<16xf32>,
      %gather3A_93 = tpu.vector_load_idx %arg6[%get3A_86] : memref<64xf32, #tpu.memory_space<vmem>>[vector<16xi32>], vector<16xf32>,
      %mul3A_94 = arith.mulf %get3A_92, %gather3A_93 : vector<16xf32>
      %add3A_95 = arith.addf %add3A_80, %mul3A_94 : vector<16xf32>
      %mul3A_96 = arith.constant 16 : i32
      %mul3A_97 = arith.muli %scan3A_21, %mul3A_96 : i32
      %get3A_98 = arith.constant 5 : i32
      %get3A_99 = arith.index_cast %get3A_98 : i32 to index
      %get3A_100 = arith.index_cast %mul3A_97 : i32 to index
      %get3A_101 = tpu.vector_load %arg7[%get3A_99, %get3A_100] {strides = array<i32>} : memref<8x512xi32, #tpu.memory_space<vmem>>, vector<16xi32>,
      %mul3A_102 = arith.constant 16 : i32
      %mul3A_103 = arith.muli %scan3A_21, %mul3A_102 : i32
      %get3A_104 = arith.constant 5 : i32
      %get3A_105 = arith.index_cast %get3A_104 : i32 to index
      %get3A_106 = arith.index_cast %mul3A_103 : i32 to index
      %get3A_107 = tpu.vector_load %arg8[%get3A_105, %get3A_106] {strides = array<i32>} : memref<8x512xf32, #tpu.memory_space<vmem>>, vector<16xf32>,
      %gather3A_108 = tpu.vector_load_idx %arg6[%get3A_101] : memref<64xf32, #tpu.memory_space<vmem>>[vector<16xi32>], vector<16xf32>,
      %mul3A_109 = arith.mulf %get3A_107, %gather3A_108 : vector<16xf32>
      %add3A_110 = arith.addf %add3A_95, %mul3A_109 : vector<16xf32>
      %mul3A_111 = arith.constant 16 : i32
      %mul3A_112 = arith.muli %scan3A_21, %mul3A_111 : i32
      %get3A_113 = arith.constant 6 : i32
      %get3A_114 = arith.index_cast %get3A_113 : i32 to index
      %get3A_115 = arith.index_cast %mul3A_112 : i32 to index
      %get3A_116 = tpu.vector_load %arg7[%get3A_114, %get3A_115] {strides = array<i32>} : memref<8x512xi32, #tpu.memory_space<vmem>>, vector<16xi32>,
      %mul3A_117 = arith.constant 16 : i32
      %mul3A_118 = arith.muli %scan3A_21, %mul3A_117 : i32
      %get3A_119 = arith.constant 6 : i32
      %get3A_120 = arith.index_cast %get3A_119 : i32 to index
      %get3A_121 = arith.index_cast %mul3A_118 : i32 to index
      %get3A_122 = tpu.vector_load %arg8[%get3A_120, %get3A_121] {strides = array<i32>} : memref<8x512xf32, #tpu.memory_space<vmem>>, vector<16xf32>,
      %gather3A_123 = tpu.vector_load_idx %arg6[%get3A_116] : memref<64xf32, #tpu.memory_space<vmem>>[vector<16xi32>], vector<16xf32>,
      %mul3A_124 = arith.mulf %get3A_122, %gather3A_123 : vector<16xf32>
      %add3A_125 = arith.addf %add3A_110, %mul3A_124 : vector<16xf32>
      %mul3A_126 = arith.constant 16 : i32
      %mul3A_127 = arith.muli %scan3A_21, %mul3A_126 : i32
      %get3A_128 = arith.constant 7 : i32
      %get3A_129 = arith.index_cast %get3A_128 : i32 to index
      %get3A_130 = arith.index_cast %mul3A_127 : i32 to index
      %get3A_131 = tpu.vector_load %arg7[%get3A_129, %get3A_130] {strides = array<i32>} : memref<8x512xi32, #tpu.memory_space<vmem>>, vector<16xi32>,
      %mul3A_132 = arith.constant 16 : i32
      %mul3A_133 = arith.muli %scan3A_21, %mul3A_132 : i32
      %get3A_134 = arith.constant 7 : i32
      %get3A_135 = arith.index_cast %get3A_134 : i32 to index
      %get3A_136 = arith.index_cast %mul3A_133 : i32 to index
      %get3A_137 = tpu.vector_load %arg8[%get3A_135, %get3A_136] {strides = array<i32>} : memref<8x512xf32, #tpu.memory_space<vmem>>, vector<16xf32>,
      %gather3A_138 = tpu.vector_load_idx %arg6[%get3A_131] : memref<64xf32, #tpu.memory_space<vmem>>[vector<16xi32>], vector<16xf32>,
      %mul3A_139 = arith.mulf %get3A_137, %gather3A_138 : vector<16xf32>
      %add3A_140 = arith.addf %add3A_125, %mul3A_139 : vector<16xf32>
      %mul3A_141 = arith.constant 16 : i32
      %mul3A_142 = arith.muli %scan3A_21, %mul3A_141 : i32
      %swap3A = arith.index_cast %mul3A_142 : i32 to index
      %swap3A_143 = tpu.vector_load %arg9[%swap3A] {strides = array<i32>} : memref<512xf32, #tpu.memory_space<vmem>>, vector<16xf32>,
      tpu.vector_store %arg9[%swap3A], %add3A_140 {strides = array<i32>} : memref<512xf32, #tpu.memory_space<vmem>>, vector<16xf32>,
      %scan3A_144 = arith.constant 1 : i32
      %scan3A_145 = arith.addi %scan3A_21, %scan3A_144 : i32
      %broadcast_in_dim3A_146 = arith.constant 0.000000e+00 : f32
      %broadcast_in_dim3A_147 = vector.broadcast %broadcast_in_dim3A_146 : f32 to vector<16xf32>
      %mul3A_148 = arith.constant 16 : i32
      %mul3A_149 = arith.muli %scan3A_145, %mul3A_148 : i32
      %get3A_150 = arith.constant 0 : i32
      %get3A_151 = arith.index_cast %get3A_150 : i32 to index
      %get3A_152 = arith.index_cast %mul3A_149 : i32 to index
      %get3A_153 = tpu.vector_load %arg7[%get3A_151, %get3A_152] {strides = array<i32>} : memref<8x512xi32, #tpu.memory_space<vmem>>, vector<16xi32>,
      %mul3A_154 = arith.constant 16 : i32
      %mul3A_155 = arith.muli %scan3A_145, %mul3A_154 : i32
      %get3A_156 = arith.constant 0 : i32
      %get3A_157 = arith.index_cast %get3A_156 : i32 to index
      %get3A_158 = arith.index_cast %mul3A_155 : i32 to index
      %get3A_159 = tpu.vector_load %arg8[%get3A_157, %get3A_158] {strides = array<i32>} : memref<8x512xf32, #tpu.memory_space<vmem>>, vector<16xf32>,
      %gather3A_160 = tpu.vector_load_idx %arg6[%get3A_153] : memref<64xf32, #tpu.memory_space<vmem>>[vector<16xi32>], vector<16xf32>,
      %mul3A_161 = arith.mulf %get3A_159, %gather3A_160 : vector<16xf32>
      %add3A_162 = arith.addf %broadcast_in_dim3A_147, %mul3A_161 : vector<16xf32>
      %mul3A_163 = arith.constant 16 : i32
      %mul3A_164 = arith.muli %scan3A_145, %mul3A_163 : i32
      %get3A_165 = arith.constant 1 : i32
      %get3A_166 = arith.index_cast %get3A_165 : i32 to index
      %get3A_167 = arith.index_cast %mul3A_164 : i32 to index
      %get3A_168 = tpu.vector_load %arg7[%get3A_166, %get3A_167] {strides = array<i32>} : memref<8x512xi32, #tpu.memory_space<vmem>>, vector<16xi32>,
      %mul3A_169 = arith.constant 16 : i32
      %mul3A_170 = arith.muli %scan3A_145, %mul3A_169 : i32
      %get3A_171 = arith.constant 1 : i32
      %get3A_172 = arith.index_cast %get3A_171 : i32 to index
      %get3A_173 = arith.index_cast %mul3A_170 : i32 to index
      %get3A_174 = tpu.vector_load %arg8[%get3A_172, %get3A_173] {strides = array<i32>} : memref<8x512xf32, #tpu.memory_space<vmem>>, vector<16xf32>,
      %gather3A_175 = tpu.vector_load_idx %arg6[%get3A_168] : memref<64xf32, #tpu.memory_space<vmem>>[vector<16xi32>], vector<16xf32>,
      %mul3A_176 = arith.mulf %get3A_174, %gather3A_175 : vector<16xf32>
      %add3A_177 = arith.addf %add3A_162, %mul3A_176 : vector<16xf32>
      %mul3A_178 = arith.constant 16 : i32
      %mul3A_179 = arith.muli %scan3A_145, %mul3A_178 : i32
      %get3A_180 = arith.constant 2 : i32
      %get3A_181 = arith.index_cast %get3A_180 : i32 to index
      %get3A_182 = arith.index_cast %mul3A_179 : i32 to index
      %get3A_183 = tpu.vector_load %arg7[%get3A_181, %get3A_182] {strides = array<i32>} : memref<8x512xi32, #tpu.memory_space<vmem>>, vector<16xi32>,
      %mul3A_184 = arith.constant 16 : i32
      %mul3A_185 = arith.muli %scan3A_145, %mul3A_184 : i32
      %get3A_186 = arith.constant 2 : i32
      %get3A_187 = arith.index_cast %get3A_186 : i32 to index
      %get3A_188 = arith.index_cast %mul3A_185 : i32 to index
      %get3A_189 = tpu.vector_load %arg8[%get3A_187, %get3A_188] {strides = array<i32>} : memref<8x512xf32, #tpu.memory_space<vmem>>, vector<16xf32>,
      %gather3A_190 = tpu.vector_load_idx %arg6[%get3A_183] : memref<64xf32, #tpu.memory_space<vmem>>[vector<16xi32>], vector<16xf32>,
      %mul3A_191 = arith.mulf %get3A_189, %gather3A_190 : vector<16xf32>
      %add3A_192 = arith.addf %add3A_177, %mul3A_191 : vector<16xf32>
      %mul3A_193 = arith.constant 16 : i32
      %mul3A_194 = arith.muli %scan3A_145, %mul3A_193 : i32
      %get3A_195 = arith.constant 3 : i32
      %get3A_196 = arith.index_cast %get3A_195 : i32 to index
      %get3A_197 = arith.index_cast %mul3A_194 : i32 to index
      %get3A_198 = tpu.vector_load %arg7[%get3A_196, %get3A_197] {strides = array<i32>} : memref<8x512xi32, #tpu.memory_space<vmem>>, vector<16xi32>,
      %mul3A_199 = arith.constant 16 : i32
      %mul3A_200 = arith.muli %scan3A_145, %mul3A_199 : i32
      %get3A_201 = arith.constant 3 : i32
      %get3A_202 = arith.index_cast %get3A_201 : i32 to index
      %get3A_203 = arith.index_cast %mul3A_200 : i32 to index
      %get3A_204 = tpu.vector_load %arg8[%get3A_202, %get3A_203] {strides = array<i32>} : memref<8x512xf32, #tpu.memory_space<vmem>>, vector<16xf32>,
      %gather3A_205 = tpu.vector_load_idx %arg6[%get3A_198] : memref<64xf32, #tpu.memory_space<vmem>>[vector<16xi32>], vector<16xf32>,
      %mul3A_206 = arith.mulf %get3A_204, %gather3A_205 : vector<16xf32>
      %add3A_207 = arith.addf %add3A_192, %mul3A_206 : vector<16xf32>
      %mul3A_208 = arith.constant 16 : i32
      %mul3A_209 = arith.muli %scan3A_145, %mul3A_208 : i32
      %get3A_210 = arith.constant 4 : i32
      %get3A_211 = arith.index_cast %get3A_210 : i32 to index
      %get3A_212 = arith.index_cast %mul3A_209 : i32 to index
      %get3A_213 = tpu.vector_load %arg7[%get3A_211, %get3A_212] {strides = array<i32>} : memref<8x512xi32, #tpu.memory_space<vmem>>, vector<16xi32>,
      %mul3A_214 = arith.constant 16 : i32
      %mul3A_215 = arith.muli %scan3A_145, %mul3A_214 : i32
      %get3A_216 = arith.constant 4 : i32
      %get3A_217 = arith.index_cast %get3A_216 : i32 to index
      %get3A_218 = arith.index_cast %mul3A_215 : i32 to index
      %get3A_219 = tpu.vector_load %arg8[%get3A_217, %get3A_218] {strides = array<i32>} : memref<8x512xf32, #tpu.memory_space<vmem>>, vector<16xf32>,
      %gather3A_220 = tpu.vector_load_idx %arg6[%get3A_213] : memref<64xf32, #tpu.memory_space<vmem>>[vector<16xi32>], vector<16xf32>,
      %mul3A_221 = arith.mulf %get3A_219, %gather3A_220 : vector<16xf32>
      %add3A_222 = arith.addf %add3A_207, %mul3A_221 : vector<16xf32>
      %mul3A_223 = arith.constant 16 : i32
      %mul3A_224 = arith.muli %scan3A_145, %mul3A_223 : i32
      %get3A_225 = arith.constant 5 : i32
      %get3A_226 = arith.index_cast %get3A_225 : i32 to index
      %get3A_227 = arith.index_cast %mul3A_224 : i32 to index
      %get3A_228 = tpu.vector_load %arg7[%get3A_226, %get3A_227] {strides = array<i32>} : memref<8x512xi32, #tpu.memory_space<vmem>>, vector<16xi32>,
      %mul3A_229 = arith.constant 16 : i32
      %mul3A_230 = arith.muli %scan3A_145, %mul3A_229 : i32
      %get3A_231 = arith.constant 5 : i32
      %get3A_232 = arith.index_cast %get3A_231 : i32 to index
      %get3A_233 = arith.index_cast %mul3A_230 : i32 to index
      %get3A_234 = tpu.vector_load %arg8[%get3A_232, %get3A_233] {strides = array<i32>} : memref<8x512xf32, #tpu.memory_space<vmem>>, vector<16xf32>,
      %gather3A_235 = tpu.vector_load_idx %arg6[%get3A_228] : memref<64xf32, #tpu.memory_space<vmem>>[vector<16xi32>], vector<16xf32>,
      %mul3A_236 = arith.mulf %get3A_234, %gather3A_235 : vector<16xf32>
      %add3A_237 = arith.addf %add3A_222, %mul3A_236 : vector<16xf32>
      %mul3A_238 = arith.constant 16 : i32
      %mul3A_239 = arith.muli %scan3A_145, %mul3A_238 : i32
      %get3A_240 = arith.constant 6 : i32
      %get3A_241 = arith.index_cast %get3A_240 : i32 to index
      %get3A_242 = arith.index_cast %mul3A_239 : i32 to index
      %get3A_243 = tpu.vector_load %arg7[%get3A_241, %get3A_242] {strides = array<i32>} : memref<8x512xi32, #tpu.memory_space<vmem>>, vector<16xi32>,
      %mul3A_244 = arith.constant 16 : i32
      %mul3A_245 = arith.muli %scan3A_145, %mul3A_244 : i32
      %get3A_246 = arith.constant 6 : i32
      %get3A_247 = arith.index_cast %get3A_246 : i32 to index
      %get3A_248 = arith.index_cast %mul3A_245 : i32 to index
      %get3A_249 = tpu.vector_load %arg8[%get3A_247, %get3A_248] {strides = array<i32>} : memref<8x512xf32, #tpu.memory_space<vmem>>, vector<16xf32>,
      %gather3A_250 = tpu.vector_load_idx %arg6[%get3A_243] : memref<64xf32, #tpu.memory_space<vmem>>[vector<16xi32>], vector<16xf32>,
      %mul3A_251 = arith.mulf %get3A_249, %gather3A_250 : vector<16xf32>
      %add3A_252 = arith.addf %add3A_237, %mul3A_251 : vector<16xf32>
      %mul3A_253 = arith.constant 16 : i32
      %mul3A_254 = arith.muli %scan3A_145, %mul3A_253 : i32
      %get3A_255 = arith.constant 7 : i32
      %get3A_256 = arith.index_cast %get3A_255 : i32 to index
      %get3A_257 = arith.index_cast %mul3A_254 : i32 to index
      %get3A_258 = tpu.vector_load %arg7[%get3A_256, %get3A_257] {strides = array<i32>} : memref<8x512xi32, #tpu.memory_space<vmem>>, vector<16xi32>,
      %mul3A_259 = arith.constant 16 : i32
      %mul3A_260 = arith.muli %scan3A_145, %mul3A_259 : i32
      %get3A_261 = arith.constant 7 : i32
      %get3A_262 = arith.index_cast %get3A_261 : i32 to index
      %get3A_263 = arith.index_cast %mul3A_260 : i32 to index
      %get3A_264 = tpu.vector_load %arg8[%get3A_262, %get3A_263] {strides = array<i32>} : memref<8x512xf32, #tpu.memory_space<vmem>>, vector<16xf32>,
      %gather3A_265 = tpu.vector_load_idx %arg6[%get3A_258] : memref<64xf32, #tpu.memory_space<vmem>>[vector<16xi32>], vector<16xf32>,
      %mul3A_266 = arith.mulf %get3A_264, %gather3A_265 : vector<16xf32>
      %add3A_267 = arith.addf %add3A_252, %mul3A_266 : vector<16xf32>
      %mul3A_268 = arith.constant 16 : i32
      %mul3A_269 = arith.muli %scan3A_145, %mul3A_268 : i32
      %swap3A_270 = arith.index_cast %mul3A_269 : i32 to index
      %swap3A_271 = tpu.vector_load %arg9[%swap3A_270] {strides = array<i32>} : memref<512xf32, #tpu.memory_space<vmem>>, vector<16xf32>,
      tpu.vector_store %arg9[%swap3A_270], %add3A_267 {strides = array<i32>} : memref<512xf32, #tpu.memory_space<vmem>>, vector<16xf32>,
      %scan3A_272 = arith.constant 2 : i32
      %scan3A_273 = arith.addi %scan3A_21, %scan3A_272 : i32
      %broadcast_in_dim3A_274 = arith.constant 0.000000e+00 : f32
      %broadcast_in_dim3A_275 = vector.broadcast %broadcast_in_dim3A_274 : f32 to vector<16xf32>
      %mul3A_276 = arith.constant 16 : i32
      %mul3A_277 = arith.muli %scan3A_273, %mul3A_276 : i32
      %get3A_278 = arith.constant 0 : i32
      %get3A_279 = arith.index_cast %get3A_278 : i32 to index
      %get3A_280 = arith.index_cast %mul3A_277 : i32 to index
      %get3A_281 = tpu.vector_load %arg7[%get3A_279, %get3A_280] {strides = array<i32>} : memref<8x512xi32, #tpu.memory_space<vmem>>, vector<16xi32>,
      %mul3A_282 = arith.constant 16 : i32
      %mul3A_283 = arith.muli %scan3A_273, %mul3A_282 : i32
      %get3A_284 = arith.constant 0 : i32
      %get3A_285 = arith.index_cast %get3A_284 : i32 to index
      %get3A_286 = arith.index_cast %mul3A_283 : i32 to index
      %get3A_287 = tpu.vector_load %arg8[%get3A_285, %get3A_286] {strides = array<i32>} : memref<8x512xf32, #tpu.memory_space<vmem>>, vector<16xf32>,
      %gather3A_288 = tpu.vector_load_idx %arg6[%get3A_281] : memref<64xf32, #tpu.memory_space<vmem>>[vector<16xi32>], vector<16xf32>,
      %mul3A_289 = arith.mulf %get3A_287, %gather3A_288 : vector<16xf32>
      %add3A_290 = arith.addf %broadcast_in_dim3A_275, %mul3A_289 : vector<16xf32>
      %mul3A_291 = arith.constant 16 : i32
      %mul3A_292 = arith.muli %scan3A_273, %mul3A_291 : i32
      %get3A_293 = arith.constant 1 : i32
      %get3A_294 = arith.index_cast %get3A_293 : i32 to index
      %get3A_295 = arith.index_cast %mul3A_292 : i32 to index
      %get3A_296 = tpu.vector_load %arg7[%get3A_294, %get3A_295] {strides = array<i32>} : memref<8x512xi32, #tpu.memory_space<vmem>>, vector<16xi32>,
      %mul3A_297 = arith.constant 16 : i32
      %mul3A_298 = arith.muli %scan3A_273, %mul3A_297 : i32
      %get3A_299 = arith.constant 1 : i32
      %get3A_300 = arith.index_cast %get3A_299 : i32 to index
      %get3A_301 = arith.index_cast %mul3A_298 : i32 to index
      %get3A_302 = tpu.vector_load %arg8[%get3A_300, %get3A_301] {strides = array<i32>} : memref<8x512xf32, #tpu.memory_space<vmem>>, vector<16xf32>,
      %gather3A_303 = tpu.vector_load_idx %arg6[%get3A_296] : memref<64xf32, #tpu.memory_space<vmem>>[vector<16xi32>], vector<16xf32>,
      %mul3A_304 = arith.mulf %get3A_302, %gather3A_303 : vector<16xf32>
      %add3A_305 = arith.addf %add3A_290, %mul3A_304 : vector<16xf32>
      %mul3A_306 = arith.constant 16 : i32
      %mul3A_307 = arith.muli %scan3A_273, %mul3A_306 : i32
      %get3A_308 = arith.constant 2 : i32
      %get3A_309 = arith.index_cast %get3A_308 : i32 to index
      %get3A_310 = arith.index_cast %mul3A_307 : i32 to index
      %get3A_311 = tpu.vector_load %arg7[%get3A_309, %get3A_310] {strides = array<i32>} : memref<8x512xi32, #tpu.memory_space<vmem>>, vector<16xi32>,
      %mul3A_312 = arith.constant 16 : i32
      %mul3A_313 = arith.muli %scan3A_273, %mul3A_312 : i32
      %get3A_314 = arith.constant 2 : i32
      %get3A_315 = arith.index_cast %get3A_314 : i32 to index
      %get3A_316 = arith.index_cast %mul3A_313 : i32 to index
      %get3A_317 = tpu.vector_load %arg8[%get3A_315, %get3A_316] {strides = array<i32>} : memref<8x512xf32, #tpu.memory_space<vmem>>, vector<16xf32>,
      %gather3A_318 = tpu.vector_load_idx %arg6[%get3A_311] : memref<64xf32, #tpu.memory_space<vmem>>[vector<16xi32>], vector<16xf32>,
      %mul3A_319 = arith.mulf %get3A_317, %gather3A_318 : vector<16xf32>
      %add3A_320 = arith.addf %add3A_305, %mul3A_319 : vector<16xf32>
      %mul3A_321 = arith.constant 16 : i32
      %mul3A_322 = arith.muli %scan3A_273, %mul3A_321 : i32
      %get3A_323 = arith.constant 3 : i32
      %get3A_324 = arith.index_cast %get3A_323 : i32 to index
      %get3A_325 = arith.index_cast %mul3A_322 : i32 to index
      %get3A_326 = tpu.vector_load %arg7[%get3A_324, %get3A_325] {strides = array<i32>} : memref<8x512xi32, #tpu.memory_space<vmem>>, vector<16xi32>,
      %mul3A_327 = arith.constant 16 : i32
      %mul3A_328 = arith.muli %scan3A_273, %mul3A_327 : i32
      %get3A_329 = arith.constant 3 : i32
      %get3A_330 = arith.index_cast %get3A_329 : i32 to index
      %get3A_331 = arith.index_cast %mul3A_328 : i32 to index
      %get3A_332 = tpu.vector_load %arg8[%get3A_330, %get3A_331] {strides = array<i32>} : memref<8x512xf32, #tpu.memory_space<vmem>>, vector<16xf32>,
      %gather3A_333 = tpu.vector_load_idx %arg6[%get3A_326] : memref<64xf32, #tpu.memory_space<vmem>>[vector<16xi32>], vector<16xf32>,
      %mul3A_334 = arith.mulf %get3A_332, %gather3A_333 : vector<16xf32>
      %add3A_335 = arith.addf %add3A_320, %mul3A_334 : vector<16xf32>
      %mul3A_336 = arith.constant 16 : i32
      %mul3A_337 = arith.muli %scan3A_273, %mul3A_336 : i32
      %get3A_338 = arith.constant 4 : i32
      %get3A_339 = arith.index_cast %get3A_338 : i32 to index
      %get3A_340 = arith.index_cast %mul3A_337 : i32 to index
      %get3A_341 = tpu.vector_load %arg7[%get3A_339, %get3A_340] {strides = array<i32>} : memref<8x512xi32, #tpu.memory_space<vmem>>, vector<16xi32>,
      %mul3A_342 = arith.constant 16 : i32
      %mul3A_343 = arith.muli %scan3A_273, %mul3A_342 : i32
      %get3A_344 = arith.constant 4 : i32
      %get3A_345 = arith.index_cast %get3A_344 : i32 to index
      %get3A_346 = arith.index_cast %mul3A_343 : i32 to index
      %get3A_347 = tpu.vector_load %arg8[%get3A_345, %get3A_346] {strides = array<i32>} : memref<8x512xf32, #tpu.memory_space<vmem>>, vector<16xf32>,
      %gather3A_348 = tpu.vector_load_idx %arg6[%get3A_341] : memref<64xf32, #tpu.memory_space<vmem>>[vector<16xi32>], vector<16xf32>,
      %mul3A_349 = arith.mulf %get3A_347, %gather3A_348 : vector<16xf32>
      %add3A_350 = arith.addf %add3A_335, %mul3A_349 : vector<16xf32>
      %mul3A_351 = arith.constant 16 : i32
      %mul3A_352 = arith.muli %scan3A_273, %mul3A_351 : i32
      %get3A_353 = arith.constant 5 : i32
      %get3A_354 = arith.index_cast %get3A_353 : i32 to index
      %get3A_355 = arith.index_cast %mul3A_352 : i32 to index
      %get3A_356 = tpu.vector_load %arg7[%get3A_354, %get3A_355] {strides = array<i32>} : memref<8x512xi32, #tpu.memory_space<vmem>>, vector<16xi32>,
      %mul3A_357 = arith.constant 16 : i32
      %mul3A_358 = arith.muli %scan3A_273, %mul3A_357 : i32
      %get3A_359 = arith.constant 5 : i32
      %get3A_360 = arith.index_cast %get3A_359 : i32 to index
      %get3A_361 = arith.index_cast %mul3A_358 : i32 to index
      %get3A_362 = tpu.vector_load %arg8[%get3A_360, %get3A_361] {strides = array<i32>} : memref<8x512xf32, #tpu.memory_space<vmem>>, vector<16xf32>,
      %gather3A_363 = tpu.vector_load_idx %arg6[%get3A_356] : memref<64xf32, #tpu.memory_space<vmem>>[vector<16xi32>], vector<16xf32>,
      %mul3A_364 = arith.mulf %get3A_362, %gather3A_363 : vector<16xf32>
      %add3A_365 = arith.addf %add3A_350, %mul3A_364 : vector<16xf32>
      %mul3A_366 = arith.constant 16 : i32
      %mul3A_367 = arith.muli %scan3A_273, %mul3A_366 : i32
      %get3A_368 = arith.constant 6 : i32
      %get3A_369 = arith.index_cast %get3A_368 : i32 to index
      %get3A_370 = arith.index_cast %mul3A_367 : i32 to index
      %get3A_371 = tpu.vector_load %arg7[%get3A_369, %get3A_370] {strides = array<i32>} : memref<8x512xi32, #tpu.memory_space<vmem>>, vector<16xi32>,
      %mul3A_372 = arith.constant 16 : i32
      %mul3A_373 = arith.muli %scan3A_273, %mul3A_372 : i32
      %get3A_374 = arith.constant 6 : i32
      %get3A_375 = arith.index_cast %get3A_374 : i32 to index
      %get3A_376 = arith.index_cast %mul3A_373 : i32 to index
      %get3A_377 = tpu.vector_load %arg8[%get3A_375, %get3A_376] {strides = array<i32>} : memref<8x512xf32, #tpu.memory_space<vmem>>, vector<16xf32>,
      %gather3A_378 = tpu.vector_load_idx %arg6[%get3A_371] : memref<64xf32, #tpu.memory_space<vmem>>[vector<16xi32>], vector<16xf32>,
      %mul3A_379 = arith.mulf %get3A_377, %gather3A_378 : vector<16xf32>
      %add3A_380 = arith.addf %add3A_365, %mul3A_379 : vector<16xf32>
      %mul3A_381 = arith.constant 16 : i32
      %mul3A_382 = arith.muli %scan3A_273, %mul3A_381 : i32
      %get3A_383 = arith.constant 7 : i32
      %get3A_384 = arith.index_cast %get3A_383 : i32 to index
      %get3A_385 = arith.index_cast %mul3A_382 : i32 to index
      %get3A_386 = tpu.vector_load %arg7[%get3A_384, %get3A_385] {strides = array<i32>} : memref<8x512xi32, #tpu.memory_space<vmem>>, vector<16xi32>,
      %mul3A_387 = arith.constant 16 : i32
      %mul3A_388 = arith.muli %scan3A_273, %mul3A_387 : i32
      %get3A_389 = arith.constant 7 : i32
      %get3A_390 = arith.index_cast %get3A_389 : i32 to index
      %get3A_391 = arith.index_cast %mul3A_388 : i32 to index
      %get3A_392 = tpu.vector_load %arg8[%get3A_390, %get3A_391] {strides = array<i32>} : memref<8x512xf32, #tpu.memory_space<vmem>>, vector<16xf32>,
      %gather3A_393 = tpu.vector_load_idx %arg6[%get3A_386] : memref<64xf32, #tpu.memory_space<vmem>>[vector<16xi32>], vector<16xf32>,
      %mul3A_394 = arith.mulf %get3A_392, %gather3A_393 : vector<16xf32>
      %add3A_395 = arith.addf %add3A_380, %mul3A_394 : vector<16xf32>
      %mul3A_396 = arith.constant 16 : i32
      %mul3A_397 = arith.muli %scan3A_273, %mul3A_396 : i32
      %swap3A_398 = arith.index_cast %mul3A_397 : i32 to index
      %swap3A_399 = tpu.vector_load %arg9[%swap3A_398] {strides = array<i32>} : memref<512xf32, #tpu.memory_space<vmem>>, vector<16xf32>,
      tpu.vector_store %arg9[%swap3A_398], %add3A_395 {strides = array<i32>} : memref<512xf32, #tpu.memory_space<vmem>>, vector<16xf32>,
      %scan3A_400 = arith.constant 3 : i32
      %scan3A_401 = arith.addi %scan3A_21, %scan3A_400 : i32
      %broadcast_in_dim3A_402 = arith.constant 0.000000e+00 : f32
      %broadcast_in_dim3A_403 = vector.broadcast %broadcast_in_dim3A_402 : f32 to vector<16xf32>
      %mul3A_404 = arith.constant 16 : i32
      %mul3A_405 = arith.muli %scan3A_401, %mul3A_404 : i32
      %get3A_406 = arith.constant 0 : i32
      %get3A_407 = arith.index_cast %get3A_406 : i32 to index
      %get3A_408 = arith.index_cast %mul3A_405 : i32 to index
      %get3A_409 = tpu.vector_load %arg7[%get3A_407, %get3A_408] {strides = array<i32>} : memref<8x512xi32, #tpu.memory_space<vmem>>, vector<16xi32>,
      %mul3A_410 = arith.constant 16 : i32
      %mul3A_411 = arith.muli %scan3A_401, %mul3A_410 : i32
      %get3A_412 = arith.constant 0 : i32
      %get3A_413 = arith.index_cast %get3A_412 : i32 to index
      %get3A_414 = arith.index_cast %mul3A_411 : i32 to index
      %get3A_415 = tpu.vector_load %arg8[%get3A_413, %get3A_414] {strides = array<i32>} : memref<8x512xf32, #tpu.memory_space<vmem>>, vector<16xf32>,
      %gather3A_416 = tpu.vector_load_idx %arg6[%get3A_409] : memref<64xf32, #tpu.memory_space<vmem>>[vector<16xi32>], vector<16xf32>,
      %mul3A_417 = arith.mulf %get3A_415, %gather3A_416 : vector<16xf32>
      %add3A_418 = arith.addf %broadcast_in_dim3A_403, %mul3A_417 : vector<16xf32>
      %mul3A_419 = arith.constant 16 : i32
      %mul3A_420 = arith.muli %scan3A_401, %mul3A_419 : i32
      %get3A_421 = arith.constant 1 : i32
      %get3A_422 = arith.index_cast %get3A_421 : i32 to index
      %get3A_423 = arith.index_cast %mul3A_420 : i32 to index
      %get3A_424 = tpu.vector_load %arg7[%get3A_422, %get3A_423] {strides = array<i32>} : memref<8x512xi32, #tpu.memory_space<vmem>>, vector<16xi32>,
      %mul3A_425 = arith.constant 16 : i32
      %mul3A_426 = arith.muli %scan3A_401, %mul3A_425 : i32
      %get3A_427 = arith.constant 1 : i32
      %get3A_428 = arith.index_cast %get3A_427 : i32 to index
      %get3A_429 = arith.index_cast %mul3A_426 : i32 to index
      %get3A_430 = tpu.vector_load %arg8[%get3A_428, %get3A_429] {strides = array<i32>} : memref<8x512xf32, #tpu.memory_space<vmem>>, vector<16xf32>,
      %gather3A_431 = tpu.vector_load_idx %arg6[%get3A_424] : memref<64xf32, #tpu.memory_space<vmem>>[vector<16xi32>], vector<16xf32>,
      %mul3A_432 = arith.mulf %get3A_430, %gather3A_431 : vector<16xf32>
      %add3A_433 = arith.addf %add3A_418, %mul3A_432 : vector<16xf32>
      %mul3A_434 = arith.constant 16 : i32
      %mul3A_435 = arith.muli %scan3A_401, %mul3A_434 : i32
      %get3A_436 = arith.constant 2 : i32
      %get3A_437 = arith.index_cast %get3A_436 : i32 to index
      %get3A_438 = arith.index_cast %mul3A_435 : i32 to index
      %get3A_439 = tpu.vector_load %arg7[%get3A_437, %get3A_438] {strides = array<i32>} : memref<8x512xi32, #tpu.memory_space<vmem>>, vector<16xi32>,
      %mul3A_440 = arith.constant 16 : i32
      %mul3A_441 = arith.muli %scan3A_401, %mul3A_440 : i32
      %get3A_442 = arith.constant 2 : i32
      %get3A_443 = arith.index_cast %get3A_442 : i32 to index
      %get3A_444 = arith.index_cast %mul3A_441 : i32 to index
      %get3A_445 = tpu.vector_load %arg8[%get3A_443, %get3A_444] {strides = array<i32>} : memref<8x512xf32, #tpu.memory_space<vmem>>, vector<16xf32>,
      %gather3A_446 = tpu.vector_load_idx %arg6[%get3A_439] : memref<64xf32, #tpu.memory_space<vmem>>[vector<16xi32>], vector<16xf32>,
      %mul3A_447 = arith.mulf %get3A_445, %gather3A_446 : vector<16xf32>
      %add3A_448 = arith.addf %add3A_433, %mul3A_447 : vector<16xf32>
      %mul3A_449 = arith.constant 16 : i32
      %mul3A_450 = arith.muli %scan3A_401, %mul3A_449 : i32
      %get3A_451 = arith.constant 3 : i32
      %get3A_452 = arith.index_cast %get3A_451 : i32 to index
      %get3A_453 = arith.index_cast %mul3A_450 : i32 to index
      %get3A_454 = tpu.vector_load %arg7[%get3A_452, %get3A_453] {strides = array<i32>} : memref<8x512xi32, #tpu.memory_space<vmem>>, vector<16xi32>,
      %mul3A_455 = arith.constant 16 : i32
      %mul3A_456 = arith.muli %scan3A_401, %mul3A_455 : i32
      %get3A_457 = arith.constant 3 : i32
      %get3A_458 = arith.index_cast %get3A_457 : i32 to index
      %get3A_459 = arith.index_cast %mul3A_456 : i32 to index
      %get3A_460 = tpu.vector_load %arg8[%get3A_458, %get3A_459] {strides = array<i32>} : memref<8x512xf32, #tpu.memory_space<vmem>>, vector<16xf32>,
      %gather3A_461 = tpu.vector_load_idx %arg6[%get3A_454] : memref<64xf32, #tpu.memory_space<vmem>>[vector<16xi32>], vector<16xf32>,
      %mul3A_462 = arith.mulf %get3A_460, %gather3A_461 : vector<16xf32>
      %add3A_463 = arith.addf %add3A_448, %mul3A_462 : vector<16xf32>
      %mul3A_464 = arith.constant 16 : i32
      %mul3A_465 = arith.muli %scan3A_401, %mul3A_464 : i32
      %get3A_466 = arith.constant 4 : i32
      %get3A_467 = arith.index_cast %get3A_466 : i32 to index
      %get3A_468 = arith.index_cast %mul3A_465 : i32 to index
      %get3A_469 = tpu.vector_load %arg7[%get3A_467, %get3A_468] {strides = array<i32>} : memref<8x512xi32, #tpu.memory_space<vmem>>, vector<16xi32>,
      %mul3A_470 = arith.constant 16 : i32
      %mul3A_471 = arith.muli %scan3A_401, %mul3A_470 : i32
      %get3A_472 = arith.constant 4 : i32
      %get3A_473 = arith.index_cast %get3A_472 : i32 to index
      %get3A_474 = arith.index_cast %mul3A_471 : i32 to index
      %get3A_475 = tpu.vector_load %arg8[%get3A_473, %get3A_474] {strides = array<i32>} : memref<8x512xf32, #tpu.memory_space<vmem>>, vector<16xf32>,
      %gather3A_476 = tpu.vector_load_idx %arg6[%get3A_469] : memref<64xf32, #tpu.memory_space<vmem>>[vector<16xi32>], vector<16xf32>,
      %mul3A_477 = arith.mulf %get3A_475, %gather3A_476 : vector<16xf32>
      %add3A_478 = arith.addf %add3A_463, %mul3A_477 : vector<16xf32>
      %mul3A_479 = arith.constant 16 : i32
      %mul3A_480 = arith.muli %scan3A_401, %mul3A_479 : i32
      %get3A_481 = arith.constant 5 : i32
      %get3A_482 = arith.index_cast %get3A_481 : i32 to index
      %get3A_483 = arith.index_cast %mul3A_480 : i32 to index
      %get3A_484 = tpu.vector_load %arg7[%get3A_482, %get3A_483] {strides = array<i32>} : memref<8x512xi32, #tpu.memory_space<vmem>>, vector<16xi32>,
      %mul3A_485 = arith.constant 16 : i32
      %mul3A_486 = arith.muli %scan3A_401, %mul3A_485 : i32
      %get3A_487 = arith.constant 5 : i32
      %get3A_488 = arith.index_cast %get3A_487 : i32 to index
      %get3A_489 = arith.index_cast %mul3A_486 : i32 to index
      %get3A_490 = tpu.vector_load %arg8[%get3A_488, %get3A_489] {strides = array<i32>} : memref<8x512xf32, #tpu.memory_space<vmem>>, vector<16xf32>,
      %gather3A_491 = tpu.vector_load_idx %arg6[%get3A_484] : memref<64xf32, #tpu.memory_space<vmem>>[vector<16xi32>], vector<16xf32>,
      %mul3A_492 = arith.mulf %get3A_490, %gather3A_491 : vector<16xf32>
      %add3A_493 = arith.addf %add3A_478, %mul3A_492 : vector<16xf32>
      %mul3A_494 = arith.constant 16 : i32
      %mul3A_495 = arith.muli %scan3A_401, %mul3A_494 : i32
      %get3A_496 = arith.constant 6 : i32
      %get3A_497 = arith.index_cast %get3A_496 : i32 to index
      %get3A_498 = arith.index_cast %mul3A_495 : i32 to index
      %get3A_499 = tpu.vector_load %arg7[%get3A_497, %get3A_498] {strides = array<i32>} : memref<8x512xi32, #tpu.memory_space<vmem>>, vector<16xi32>,
      %mul3A_500 = arith.constant 16 : i32
      %mul3A_501 = arith.muli %scan3A_401, %mul3A_500 : i32
      %get3A_502 = arith.constant 6 : i32
      %get3A_503 = arith.index_cast %get3A_502 : i32 to index
      %get3A_504 = arith.index_cast %mul3A_501 : i32 to index
      %get3A_505 = tpu.vector_load %arg8[%get3A_503, %get3A_504] {strides = array<i32>} : memref<8x512xf32, #tpu.memory_space<vmem>>, vector<16xf32>,
      %gather3A_506 = tpu.vector_load_idx %arg6[%get3A_499] : memref<64xf32, #tpu.memory_space<vmem>>[vector<16xi32>], vector<16xf32>,
      %mul3A_507 = arith.mulf %get3A_505, %gather3A_506 : vector<16xf32>
      %add3A_508 = arith.addf %add3A_493, %mul3A_507 : vector<16xf32>
      %mul3A_509 = arith.constant 16 : i32
      %mul3A_510 = arith.muli %scan3A_401, %mul3A_509 : i32
      %get3A_511 = arith.constant 7 : i32
      %get3A_512 = arith.index_cast %get3A_511 : i32 to index
      %get3A_513 = arith.index_cast %mul3A_510 : i32 to index
      %get3A_514 = tpu.vector_load %arg7[%get3A_512, %get3A_513] {strides = array<i32>} : memref<8x512xi32, #tpu.memory_space<vmem>>, vector<16xi32>,
      %mul3A_515 = arith.constant 16 : i32
      %mul3A_516 = arith.muli %scan3A_401, %mul3A_515 : i32
      %get3A_517 = arith.constant 7 : i32
      %get3A_518 = arith.index_cast %get3A_517 : i32 to index
      %get3A_519 = arith.index_cast %mul3A_516 : i32 to index
      %get3A_520 = tpu.vector_load %arg8[%get3A_518, %get3A_519] {strides = array<i32>} : memref<8x512xf32, #tpu.memory_space<vmem>>, vector<16xf32>,
      %gather3A_521 = tpu.vector_load_idx %arg6[%get3A_514] : memref<64xf32, #tpu.memory_space<vmem>>[vector<16xi32>], vector<16xf32>,
      %mul3A_522 = arith.mulf %get3A_520, %gather3A_521 : vector<16xf32>
      %add3A_523 = arith.addf %add3A_508, %mul3A_522 : vector<16xf32>
      %mul3A_524 = arith.constant 16 : i32
      %mul3A_525 = arith.muli %scan3A_401, %mul3A_524 : i32
      %swap3A_526 = arith.index_cast %mul3A_525 : i32 to index
      %swap3A_527 = tpu.vector_load %arg9[%swap3A_526] {strides = array<i32>} : memref<512xf32, #tpu.memory_space<vmem>>, vector<16xf32>,
      tpu.vector_store %arg9[%swap3A_526], %add3A_523 {strides = array<i32>} : memref<512xf32, #tpu.memory_space<vmem>>, vector<16xf32>,
    }
    %scan3A_20 = arith.constant 32 : i32
    "tpu.region"() ({
      %run_scoped3A = tpu.sem_alloc : memref<!tpu.dma_semaphore, #tpu.memory_space<semaphore_mem>>
      %dma_start3A_21 = tpu.memref_slice %arg5[%mul3A_2] : memref<8192xf32, #tpu.memory_space<hbm>> -> memref<512xf32, #tpu.memory_space<hbm>>
      %dma_start3A_22 = tpu.memref_slice %arg5[%mul3A_2] : memref<8192xf32, #tpu.memory_space<hbm>> -> memref<512xf32, #tpu.memory_space<hbm>>
      tpu.enqueue_dma source(%arg9 : memref<512xf32, #tpu.memory_space<vmem>>) target(%dma_start3A_22 : memref<512xf32, #tpu.memory_space<hbm>>) target_semaphore(%run_scoped3A : memref<!tpu.dma_semaphore, #tpu.memory_space<semaphore_mem>>)
      %dma_wait3A_23 = tpu.memref_slice %arg5[%mul3A_2] : memref<8192xf32, #tpu.memory_space<hbm>> -> memref<512xf32, #tpu.memory_space<hbm>>
      %dma_wait3A_24 = tpu.memref_slice %arg5[%mul3A_2] : memref<8192xf32, #tpu.memory_space<hbm>> -> memref<512xf32, #tpu.memory_space<hbm>>
      tpu.wait_dma2 semaphore(%run_scoped3A : memref<!tpu.dma_semaphore, #tpu.memory_space<semaphore_mem>>) src(%arg9 : memref<512xf32, #tpu.memory_space<vmem>>) dst(%dma_wait3A_24 : memref<512xf32, #tpu.memory_space<hbm>>)
      tpu.yield
    }) : () -> ()
    return
  }
}

module attributes {stable_mosaic.version = 14 : i64} {
  func.func @_scale_body(%arg0: i32, %arg1: memref<64x128xf32, #tpu.memory_space<vmem>>, %arg2: memref<512x4096xf32, #tpu.memory_space<vmem>>, %arg3: memref<512x4096xf32, #tpu.memory_space<vmem>>) attributes {dimension_semantics = [#tpu.dimension_semantics<arbitrary>], iteration_bounds = array<i64: 16>, scalar_prefetch = 0 : i64, scratch_operands = 0 : i64, tpu.core_type = #tpu.core_type<tc>, window_params = [{pipeline_mode = #tpu.pipeline_mode<synchronous>, transform_indices = @transform_0, window_bounds = array<i64: 64, 128>}, {transform_indices = @transform_1, window_bounds = array<i64: 512, 4096>}, {transform_indices = @transform_2, window_bounds = array<i64: 512, 4096>}]} {
    %mul3A = arith.constant 4 : i32
    %mul3A_0 = arith.muli %arg0, %mul3A : i32
    %get3A = arith.index_cast %mul3A_0 : i32 to index
    %get3A_1 = arith.constant 0 : index
    %get3A_2 = vector.load %arg1[%get3A, %get3A_1] : memref<64x128xf32, #tpu.memory_space<vmem>>, vector<4x128xf32>
    %iota3A = tpu.iota {dimensions = array<i32: 0>} : vector<128x128xi32>
    %iota3A_3 = tpu.iota {dimensions = array<i32: 1>} : vector<128x128xi32>
    %eq3A = arith.cmpi eq, %iota3A, %iota3A_3 : vector<128x128xi32>
    %convert_element_type3A = arith.extui %eq3A : vector<128x128xi1> to vector<128x128xi32>
    %convert_element_type3A_4 = arith.sitofp %convert_element_type3A : vector<128x128xi32> to vector<128x128xf32>
    %dot_general3A = arith.constant dense<0.000000e+00> : vector<128x4xf32>
    %dot_general3A_5 = tpu.matmul %convert_element_type3A_4, %get3A_2, %dot_general3A {dimension_numbers = #tpu.dot_dimension_numbers<[1], [1], [0], [0], [0, 0, 1, 0], [], []>, precision = #tpu.contract_precision<fp32>, transpose_lhs_hint = false} : vector<128x128xf32>, vector<4x128xf32>, vector<128x4xf32> -> vector<128x4xf32>
    %slice3A = vector.extract_strided_slice %dot_general3A_5 {offsets = [0, 0], sizes = [128, 1], strides = [1, 1]} : vector<128x4xf32> to vector<128x1xf32>
    %get3A_6 = arith.constant 0 : index
    %get3A_7 = arith.constant 0 : index
    %get3A_8 = vector.load %arg2[%get3A_6, %get3A_7] : memref<512x4096xf32, #tpu.memory_space<vmem>>, vector<128x4096xf32>
    %mul3A_9 = vector.broadcast %slice3A : vector<128x1xf32> to vector<128x4096xf32>
    %mul3A_10 = arith.mulf %mul3A_9, %get3A_8 : vector<128x4096xf32>
    %swap3A = arith.constant 0 : index
    %swap3A_11 = arith.constant 0 : index
    %swap3A_12 = vector.load %arg3[%swap3A, %swap3A_11] : memref<512x4096xf32, #tpu.memory_space<vmem>>, vector<128x4096xf32>
    tpu.vector_store %arg3[%swap3A, %swap3A_11], %mul3A_10 {strides = array<i32>} : memref<512x4096xf32, #tpu.memory_space<vmem>>, vector<128x4096xf32>,
    %slice3A_13 = vector.extract_strided_slice %dot_general3A_5 {offsets = [0, 1], sizes = [128, 1], strides = [1, 1]} : vector<128x4xf32> to vector<128x1xf32>
    %get3A_14 = arith.constant 128 : index
    %get3A_15 = arith.constant 0 : index
    %get3A_16 = vector.load %arg2[%get3A_14, %get3A_15] : memref<512x4096xf32, #tpu.memory_space<vmem>>, vector<128x4096xf32>
    %mul3A_17 = vector.broadcast %slice3A_13 : vector<128x1xf32> to vector<128x4096xf32>
    %mul3A_18 = arith.mulf %mul3A_17, %get3A_16 : vector<128x4096xf32>
    %swap3A_19 = arith.constant 128 : index
    %swap3A_20 = arith.constant 0 : index
    %swap3A_21 = vector.load %arg3[%swap3A_19, %swap3A_20] : memref<512x4096xf32, #tpu.memory_space<vmem>>, vector<128x4096xf32>
    tpu.vector_store %arg3[%swap3A_19, %swap3A_20], %mul3A_18 {strides = array<i32>} : memref<512x4096xf32, #tpu.memory_space<vmem>>, vector<128x4096xf32>,
    %slice3A_22 = vector.extract_strided_slice %dot_general3A_5 {offsets = [0, 2], sizes = [128, 1], strides = [1, 1]} : vector<128x4xf32> to vector<128x1xf32>
    %get3A_23 = arith.constant 256 : index
    %get3A_24 = arith.constant 0 : index
    %get3A_25 = vector.load %arg2[%get3A_23, %get3A_24] : memref<512x4096xf32, #tpu.memory_space<vmem>>, vector<128x4096xf32>
    %mul3A_26 = vector.broadcast %slice3A_22 : vector<128x1xf32> to vector<128x4096xf32>
    %mul3A_27 = arith.mulf %mul3A_26, %get3A_25 : vector<128x4096xf32>
    %swap3A_28 = arith.constant 256 : index
    %swap3A_29 = arith.constant 0 : index
    %swap3A_30 = vector.load %arg3[%swap3A_28, %swap3A_29] : memref<512x4096xf32, #tpu.memory_space<vmem>>, vector<128x4096xf32>
    tpu.vector_store %arg3[%swap3A_28, %swap3A_29], %mul3A_27 {strides = array<i32>} : memref<512x4096xf32, #tpu.memory_space<vmem>>, vector<128x4096xf32>,
    %slice3A_31 = vector.extract_strided_slice %dot_general3A_5 {offsets = [0, 3], sizes = [128, 1], strides = [1, 1]} : vector<128x4xf32> to vector<128x1xf32>
    %get3A_32 = arith.constant 384 : index
    %get3A_33 = arith.constant 0 : index
    %get3A_34 = vector.load %arg2[%get3A_32, %get3A_33] : memref<512x4096xf32, #tpu.memory_space<vmem>>, vector<128x4096xf32>
    %mul3A_35 = vector.broadcast %slice3A_31 : vector<128x1xf32> to vector<128x4096xf32>
    %mul3A_36 = arith.mulf %mul3A_35, %get3A_34 : vector<128x4096xf32>
    %swap3A_37 = arith.constant 384 : index
    %swap3A_38 = arith.constant 0 : index
    %swap3A_39 = vector.load %arg3[%swap3A_37, %swap3A_38] : memref<512x4096xf32, #tpu.memory_space<vmem>>, vector<128x4096xf32>
    tpu.vector_store %arg3[%swap3A_37, %swap3A_38], %mul3A_36 {strides = array<i32>} : memref<512x4096xf32, #tpu.memory_space<vmem>>, vector<128x4096xf32>,
    return
  }
  func.func @transform_0(%arg0: i32) -> (i32, i32) {
    %c0_i32 = arith.constant 0 : i32
    %c0_i32_0 = arith.constant 0 : i32
    %c0_i32_1 = arith.constant 0 : i32
    return %c0_i32, %c0_i32_0 : i32, i32
  }
  func.func @transform_1(%arg0: i32) -> (i32, i32) {
    %c0_i32 = arith.constant 0 : i32
    %c0_i32_0 = arith.constant 0 : i32
    return %arg0, %c0_i32 : i32, i32
  }
  func.func @transform_2(%arg0: i32) -> (i32, i32) {
    %c0_i32 = arith.constant 0 : i32
    %c0_i32_0 = arith.constant 0 : i32
    return %arg0, %c0_i32 : i32, i32
  }
}

</mosaic_0001>

<sc_bundles>
// kernel: kernel.4.cloned.1.call-start
scs
__scs_entry_jumppad:
0x0: {  	(pc) =	sbr.rel $0x88, $3  }
0x1: {  	(tag) =	ssettag $0x0;
	lr =	simm.s32 $0x1  }
0x2: {  	[smem:$0x3F9D] =	sst lr;
	_ =	strace $0xD0000000  }
0x3: {  	_ = 	snop  }
0x4: {  	_ = 	snop  }
0x5: {  	_ = 	snop  }
0x6: {  	_ = 	snop  }
0x7: {  	_ = 	snop  }
__scs_overlays_trampoline_lowered:
0x8: {  	[smem:$0x3FAC] =	sst s0  }
0x9: {  	[smem:$0x3FAD] =	sst s1  }
0xa: {  	[smem:$0x3FAE] =	sst s2  }
0xb: {  	[smem:$0x3FAF] =	sst s3  }
0xc: {  	[smem:$0x3FB0] =	sst s4  }
0xd: {  	[smem:$0x3FB1] =	sst s5  }
0xe: {  	[smem:$0x3FB2] =	sst s6  }
0xf: {  	[smem:$0x3FB3] =	sst s7  }
0x10: {  	[smem:$0x3FB4] =	sst s8  }
0x11: {  	[smem:$0x3FB5] =	sst s9;
	s0 =	simm.s32 @!p0 $0x0  }
0x12: {  	s1 =	sld [smem:$0x3F9B];
	s0 =	simm.s32 @p0 $0x1  }
0x13: {  	[smem:$0x3FB6] =	sst s0;
	s0 =	simm.s32 @!p1 $0x0  }
0x14: {  	s2 =	sld [smem:$0x3F9A];
	s0 =	simm.s32 @p1 $0x1  }
0x15: {  	[smem:$0x3FB7] =	sst s0;
	s0 =	simm.s32 @!p2 $0x0  }
0x16: {  	s3 =	sld [smem:$0x3FDB];
	s0 =	simm.s32 @p2 $0x1  }
0x17: {  	s4 =	simm.s32 $0x1BF5;
	[smem:$0x3FB9] =	sst s0  }
0x18: {  	s0 =	sld [smem:$0x3F9C];
	_ =	swait.ge [sflag:s4], $0x0  }
0x19: {  	s7 =	sld [smem:$0x3F9D]  }
0x1a: {  	s8 =	sadd.s32 $0xFFFFE003, lr  }
0x1b: {  	s9 =	sadd.s32 $0xFFFFFEF7, lr;
	s5 =	simm.s32 $0xFFFFFFFF;
	p2 =	slt.u32 s8, $0xFFFFF086  }
0x1c: {  	p1 =	slt.u32 s9, $0xF7A;
	s5 =	simm.s32 @!p2 $0x0  }
0x1d: {  	s5 =	simm.s32 @p1 $0x1;
	p0 =	seq.s32 s7, s2  }
0x1e: {  	s7 =	smul.u32 @!p0 $0xF7A, s2;
	p2 =	seq.s32 @!p0 s5, $0x0  }
0x1f: {  	s9 =	smul.u32 $0xF7A, s1;
	s8 =	simm.s32 @!p0 $0x1BF5;
	p2 =	por !p2, p0  }
0x20: {  	[sflag:s8] =	ssyncset.s32 @!p0 $0xFFFFF086;
	s6 =	sadd.s32 @!p0 s3, s7;
	s7 =	simm.s32 @!p0 $0x108  }
0x21: {  	s3 =	sadd.s32 s3, s9;
	s6 =	sadd.s32 @!p0 $0x88, s6;
	s7 =	simm.s32 @p2 $0x1082  }
0x22: {  	[simem:s7], [sflag:s8] =	dma.local @!p0 [hbm:s6], $0xF7A  }
0x23: {  	s9 =	sor.u32 $0xD0000000, s2;
	s6 =	simm.s32 $0x108;
	_ =	swait.ge @!p0 [sflag:s8], $0x0  }
0x24: {  	s3 =	sadd.s32 $0x88, s3;
	s6 =	simm.s32 @!p1 $0x1082;
	[sflag:s4] =	ssyncset.s32 $0xFFFFF086  }
0x25: {  	[simem:s6], [sflag:s4] =	dma.local [hbm:s3], $0xF7A  }
0x26: {  	[smem:$0x3F9D] =	sst s1;
	(tag) =	ssettag s2;
	_ =	strace s9  }
0x27: {  	s1 =	sld [smem:$0x3FAD]  }
0x28: {  	s2 =	sld [smem:$0x3FAE]  }
0x29: {  	s4 =	sld [smem:$0x3FB0]  }
0x2a: {  	p0 =	seq.s32 s5, $0x0;
	s5 =	sld [smem:$0x3FB1]  }
0x2b: {  	s6 =	sld [smem:$0x3FB2]  }
0x2c: {  	s7 =	sld [smem:$0x3FB3]  }
0x2d: {  	s3 =	simm.s32 $0x108;
	s8 =	sld [smem:$0x3FB4]  }
0x2e: {  	s3 =	simm.s32 @!p0 $0x1082;
	s9 =	sld [smem:$0x3FB5]  }
0x2f: {  	lr =	sadd.s32 s0, s3;
	s0 =	sld [smem:$0x3FAC]  }
0x30: {  	s3 =	sld [smem:$0x3FAF]  }
0x31: {  	[smem:$0x3FB8] =	sst s10  }
0x32: {  	s10 =	sld [smem:$0x3FB6];
	_ =	sdelay $0x3  }
0x33: {  	p0 =	seq.s32 s10, $0x1;
	s10 =	sld [smem:$0x3FB8];
	_ =	sdelay $0x3  }
0x34: {  	[smem:$0x3FB8] =	sst s10  }
0x35: {  	s10 =	sld [smem:$0x3FB7];
	_ =	sdelay $0x3  }
0x36: {  	p1 =	seq.s32 s10, $0x1;
	s10 =	sld [smem:$0x3FB8];
	_ =	sdelay $0x3  }
0x37: {  	[smem:$0x3FB8] =	sst s10  }
0x38: {  	s10 =	sld [smem:$0x3FB9]  }
0x39: {  	_ = 	snop;
	(pc) =	sbr.ind lr, $3  }
0x3a: {  	_ = 	snop  }
0x3b: {  	_ = 	snop  }
0x3c: {  	p2 =	seq.s32 s10, $0x1;
	s10 =	sld [smem:$0x3FB8]  }
0x3d: {  	_ =	shalt  }
0x3e: {  	_ =	shalt  }
0x3f: {  	_ =	shalt  }
0x40: {  	_ =	shalt  }
0x41: {  	_ =	shalt  }
0x42: {  	_ =	shalt  }
0x43: {  	_ =	shalt  }
0x44: {  	_ =	shalt  }
0x45: {  	_ =	shalt  }
0x46: {  	_ =	shalt  }
0x47: {  	_ =	shalt  }
0x48: {  	_ =	shalt  }
0x49: {  	_ =	shalt  }
0x4a: {  	_ =	shalt  }
0x4b: {  	_ =	shalt  }
0x4c: {  	_ =	shalt  }
0x4d: {  	_ =	shalt  }
0x4e: {  	_ =	shalt  }
0x4f: {  	_ =	shalt  }
0x50: {  	_ =	shalt  }
0x51: {  	_ =	shalt  }
0x52: {  	_ =	shalt  }
0x53: {  	_ =	shalt  }
0x54: {  	_ =	shalt  }
0x55: {  	_ =	shalt  }
0x56: {  	_ =	shalt  }
0x57: {  	_ =	shalt  }
0x58: {  	_ =	shalt  }
0x59: {  	_ =	shalt  }
0x5a: {  	_ =	shalt  }
0x5b: {  	_ =	shalt  }
0x5c: {  	_ =	shalt  }
0x5d: {  	_ =	shalt  }
0x5e: {  	_ =	shalt  }
0x5f: {  	_ =	shalt  }
0x60: {  	_ =	shalt  }
0x61: {  	_ =	shalt  }
0x62: {  	_ =	shalt  }
0x63: {  	_ =	shalt  }
0x64: {  	_ =	shalt  }
0x65: {  	_ =	shalt  }
0x66: {  	_ =	shalt  }
0x67: {  	_ =	shalt  }
0x68: {  	_ =	shalt  }
0x69: {  	_ =	shalt  }
0x6a: {  	_ =	shalt  }
0x6b: {  	_ =	shalt  }
0x6c: {  	_ =	shalt  }
0x6d: {  	_ =	shalt  }
0x6e: {  	_ =	shalt  }
0x6f: {  	_ =	shalt  }
0x70: {  	_ =	shalt  }
0x71: {  	_ =	shalt  }
0x72: {  	_ =	shalt  }
0x73: {  	_ =	shalt  }
0x74: {  	_ =	shalt  }
0x75: {  	_ =	shalt  }
0x76: {  	_ =	shalt  }
0x77: {  	_ =	shalt  }
0x78: {  	_ =	shalt  }
0x79: {  	_ =	shalt  }
0x7a: {  	_ =	shalt  }
0x7b: {  	_ =	shalt  }
0x7c: {  	_ =	shalt  }
0x7d: {  	_ =	shalt  }
0x7e: {  	_ =	shalt  }
0x7f: {  	_ =	shalt  }
0x80: {  	_ =	shalt  }
0x81: {  	_ =	shalt  }
0x82: {  	_ =	shalt  }
0x83: {  	_ =	shalt  }
0x84: {  	_ =	shalt  }
0x85: {  	_ =	shalt  }
0x86: {  	_ =	shalt  }
0x87: {  	_ =	shalt  }
.Lfunc_end0:
.L_simem_size_0:
called_computation_lowered:
.L_overlay_start_0:
0x88: {  	s0 =	sld [smem:$0x3FD9]  }
0x89: {  	s1 =	sld [smem:$0x3FFE];
	_ =	sdelay $0x3  }
0x8a: {  	s0 =	sadd.s32 s1, s0  }
0x8b: {  	[smem:$0x3FC4] =	sst s0  }
0x8c: {  	_ = 	snop  }
0x8d: {  	s0 =	sld [smem:$0x3FC8]  }
0x8e: {  	s17 =	sld [smem:$0x3FC7]  }
0x8f: {  	s2 =	sld [smem:$0x3FC6]  }
0x90: {  	s3 =	sld [smem:$0x3FD0];
	(tm) =	ssettm $0x1  }
0x91: {  	s4 =	sld [smem:$0x3FFB];
	_ =	sdelay $0x3  }
0x92: {  	_ =	strace s4  }
0x93: {  	s4 =	sld [smem:$0x3FFC];
	_ =	sdelay $0x3  }
0x94: {  	_ =	strace s4  }
0x95: {  	s4 =	sld [smem:$0x3FFD];
	_ =	sdelay $0x3  }
0x96: {  	_ =	strace s4  }
0x97: {  	_ =	strace $0x8FFFFFFF  }
0x98: {  	s18 =	sld [smem:$0x3FDB];
	_ =	sdelay $0x1  }
0x99: {  	s5 =	simm.s32 $_scs_section_size  }
0x9a: {  	s6 =	simm.s32 $_size__tile_overlayer_lowered;
	s7 =	simm.s32 $_tile_overlayer_lowered  }
0x9b: {  	s21 =	simm.s32 $0x1BFF;
	s20 =	sshll.u32 s7, $0x1;
	s4 =	sadd.s32 s5, s18  }
0x9c: {  	s8 =	simm.s32 $0x0;
	s19 =	sshll.u32 s6, $0x1;
	s6 =	sadd.s32 s20, s4  }
0x9d: {  	[timem:s8], [sflag:s21] =	dma.local [hbm:s6], s19  }
0x9e: {  	_ =	swait.ge [sflag:s21], s19  }
0x9f: {  	s5 =	ssub.s32 $0x0, s19;
	[sflag:s21] =	ssyncset.done $0x0  }
0xa0: {  	[sflag:s21] =	ssyncadd.s32 s5;
	_ =	sdelay $0x1  }
0xa1: {  	s22 =	simm.s32 $0x1B8B  }
0xa2: {  	_ =	swait.ge [sflag:s22], $0x1  }
0xa3: {  	[sflag:s22] =	ssyncset.done $0x0  }
0xa4: {  	s23 =	simm.s32 $0x1B8E;
	[sflag:s22] =	ssyncadd.s32 $0xFFFFFFFF  }
0xa5: {  	s24 =	simm.s32 $execute0_lowered;
	[smem:$0x3FD2] =	sst s23  }
0xa6: {  	s5 =	sshll.u32 s24, $0x1;
	_ =	strace $0x80000046;
	[dreg:$0x1] =	wrdreg $0xFFFFFFFF  }
0xa7: {  	s25 =	simm.s32 $_size_execute0_lowered;
	s4 =	sadd.s32 s4, s5;
	[dreg:$0x0] =	wrdreg $0x0  }
0xa8: {  	s5 =	sshll.u32 s25, $0x1;
	[dreg:$0x2] =	wrdreg s4  }
0xa9: {  	[dreg:$0x3] =	wrdreg s5  }
0xaa: {  	[dreg:$0x4] =	wrdreg $0xC0  }
0xab: {  	_ =	task [dreg:s8], $0x5FFFF  }
0xac: {  	[dreg:$0x1] =	wrdreg $0xFFFFFFFF  }
0xad: {  	[dreg:$0x0] =	wrdreg $0x60  }
0xae: {  	[dreg:$0x2] =	wrdreg s0  }
0xaf: {  	[dreg:$0x3] =	wrdreg s17  }
0xb0: {  	[dreg:$0x4] =	wrdreg s2  }
0xb1: {  	[dreg:$0x5] =	wrdreg s3  }
0xb2: {  	[dreg:$0x6] =	wrdreg $0x9  }
0xb3: {  	_ =	task.clear_ibuf [dreg:s8], $0x7FFFF;
	_ =	strace $0x90000046  }
0xb4: {  	s26 =	simm.s32 $0x9;
	_ =	strace $0x80000048  }
0xb5: {  	_ =	swait.ge [sflag:s26], $0x1  }
0xb6: {  	[sflag:s26] =	ssyncadd.s32 $0xFFFFFFFF  }
0xb7: {  	_ =	strace $0x90000048  }
0xb8: {  	_ =	sfence  }
0xb9: {  	s28 =	sld [smem:$0x0];
	_ =	sdelay $0x1  }
0xba: {  	s29 =	srdreg.scid  }
0xbb: {  	s30 =	sshll.u32 s29, $0xD;
	s31 =	sshrl.u32 s29, $0x2  }
0xbc: {  	s1 =	sand.u32 $0x1, s29;
	s2 =	sand.u32 $0x4000, s30;
	s0 =	sadd.s32 s31, s28  }
0xbd: {  	s1 =	sor.u32 s2, s1;
	s0 =	sshll.u32 s0, $0x11  }
0xbe: {  	s0 =	sor.u32 s0, s1  }
0xbf: {  	s0 =	sadd.s32 $0x8F2B, s0  }
0xc0: {  	[sflag:s0] =	ssyncadd.remote.s32 $0x1  }
0xc1: {  	_ =	sfence.sel $0xFFFF  }
0xc2: {  	[dreg:$0x0] =	wrdreg $0xFFFFFFFF;
	(pc) =	sbr.abs _section_cstart, $3  }
0xc3: {  	[dreg:$0x1] =	wrdreg $0xFFFFFFFF  }
0xc4: {  	_ =	task.clear_ibuf [dreg:s8], $0x2FFFF;
	_ =	strace $0x9FFFFFFF  }
0xc5: {  	(tm) =	ssettm $0x7FFFFFFF  }
tec
execute0_lowered:
.L_overlay_start_1:
0x0: {  	(tag) =	ssettag $0x1  }
0x1: {  	s4 =	rddreg [dreg:$0x0]  }
0x2: {  	s5 =	rddreg [dreg:$0x1]  }
0x3: {  	s6 =	rddreg [dreg:$0x2]  }
0x4: {  	s2 =	rddreg [dreg:$0x3];
	s3 =	simm.s32 $0x0  }
0x5: {  	s1 =	stileid.u32;
	[smem:$0x7FF] =	sst s3  }
0x6: {  	s0 =	rddreg [dreg:$0x4];
	s7 =	sshll.u32 s1, $0x9;
	_ =	strace $0x80000047  }
0x7: {  	[tilespmem:s3], [sflag:$0x1] =	stream.linear.gather [hbm4b:s6+s3], $0x80, $0x38;
	[tilespmem:$0x2280] =	vst v63  }
0x8: {  	s11 =	simm.s32 $0x80;
	s4 =	sadd.s32 s4, s7  }
0x9: {  	[tilespmem:s11], [sflag:$0x2] =	stream.linear.gather [hbm4b:s4+s3], $0x1000, $0x38;
	[tilespmem:$0x2280] =	vst v63  }
0xa: {  	s13 =	simm.s32 $0x1080;
	s12 =	sadd.s32 s5, s7;
	s6 =	simm.s32 $0x1  }
0xb: {  	[tilespmem:s13], [sflag:$0x3] =	stream.linear.gather [hbm4b:s12+s3], $0x1000, $0x38;
	[tilespmem:$0x2280] =	vst v63  }
0xc: {  	_ =	swait.ge [sflag:s6], $0x80  }
0xd: {  	[sflag:s6] =	ssyncset.done $0x0  }
0xe: {  	s14 =	simm.s32 $0x2;
	[sflag:s6] =	ssyncadd.s32 $0xFFFFFF80  }
0xf: {  	_ =	swait.ge [sflag:s14], $0x1000  }
0x10: {  	[sflag:s14] =	ssyncset.done $0x0  }
0x11: {  	s15 =	simm.s32 $0x3;
	[sflag:s14] =	ssyncadd.s32 $0xFFFFF000  }
0x12: {  	p0 =	por $0x0, $0x0;
	_ =	swait.ge [sflag:s15], $0x1000  }
0x13: {  	s5 =	sand.u32 $0xC00, s3;
	s4 =	sand.u32 $0x40, s3;
	[sflag:s15] =	ssyncset.done $0x0  }
0x14: {  	s16 =	sor.u32 s4, s5;
	s6 =	simm.s32 @!p0 $0x0;
	[sflag:s15] =	ssyncadd.s32 $0xFFFFF000  }
0x15: {  	s8 =	sor.u32 s5, s3;
	s6 =	sshll.u32 s6, $0x6;
	v0 =	vld [tilespmem:s16+$0x80]  }
0x16: {  	s8 =	sor.u32 $0x180, s8;
	s6 =	sadd.s32 $0x0, s6;
	v1 =	vld [tilespmem:s16+$0x100]  }
0x17: {  	s9 =	sor.u32 $0x280, s6;
	v2 =	vld [tilespmem:s8+$0x80]  }
0x18: {  	s10 =	sor.u32 s3, s3;
	v3 =	vld [tilespmem:s9+$0x80]  }
0x19: {  	s10 =	sor.u32 $0x380, s10;
	v4 =	vld [tilespmem:s16+$0x180]  }
0x1a: {  	s11 =	sor.u32 $0x200, s6;
	v5 =	vld [tilespmem:s10+$0x80]  }
0x1b: {  	v6 =	vld [tilespmem:s11+$0x80]  }
0x1c: {  	v7 =	vld [tilespmem:s16+$0x1080]  }
0x1d: {  	v8 =	vld [tilespmem:s16+$0x1100]  }
0x1e: {  	s12 =	sor.u32 $0x300, s6;
	v0 =	vld.idx.msk [tilespmem:v0+s3+$0x0], $0xffff  }
0x1f: {  	v9 =	vld [tilespmem:s12+$0x80]  }
0x20: {  	v1 =	vld.idx.msk [tilespmem:v1+s3+$0x0], $0xffff  }
0x21: {  	v10 =	vld [tilespmem:s16+$0x1180]  }
0x22: {  	v4 =	vld.idx.msk [tilespmem:v4+s3+$0x0], $0xffff  }
0x23: {  	v2 =	vld.idx.msk [tilespmem:v2+s3+$0x0], $0xffff;
	v0 =	vmul.f32 v0, v7  }
0x24: {  	v7 =	vld [tilespmem:s8+$0x1080]  }
0x25: {  	v54 =	vld [tilespmem:s11+$0x1080];
	v1 =	vmul.f32 v1, v8;
	v0 =	vadd.f32 $0.0e+00, v0  }
0x26: {  	v6 =	vld.idx.msk [tilespmem:v6+s3+$0x0], $0xffff  }
0x27: {  	v3 =	vld.idx.msk [tilespmem:v3+s3+$0x0], $0xffff;
	v0 =	vadd.f32 v1, v0;
	v1 =	vmul.f32 v4, v10  }
0x28: {  	v4 =	vld [tilespmem:s9+$0x1080]  }
0x29: {  	v0 =	vadd.f32 v1, v0;
	v1 =	vmul.f32 v2, v7;
	v2 =	vld.idx.msk [tilespmem:v9+s3+$0x0], $0xffff  }
0x2a: {  	v7 =	vld [tilespmem:s12+$0x1080]  }
0x2b: {  	v5 =	vld.idx.msk [tilespmem:v5+s3+$0x0], $0xffff;
	v0 =	vadd.f32 v1, v0;
	v1 =	vmul.f32 v6, v54  }
0x2c: {  	v6 =	vld [tilespmem:s10+$0x1080]  }
0x2d: {  	v0 =	vadd.f32 v1, v0;
	v1 =	vmul.f32 v3, v4;
	_ =	sdelay $0x1  }
0x2e: {  	v0 =	vadd.f32 v1, v0;
	v1 =	vmul.f32 v2, v7;
	_ =	sdelay $0x1  }
0x2f: {  	v0 =	vadd.f32 v1, v0;
	v1 =	vmul.f32 v5, v6;
	_ =	sdelay $0x1  }
0x30: {  	v0 =	vadd.f32 v1, v0  }
0x31: {  	s17 =	simm.s32 $0x2080;
	s18 =	sor.u32 $0x10, s4  }
0x32: {  	s20 =	sor.u32 s5, s18;
	s19 =	sadd.s32 $0x10, s6;
	[tilespmem:s17+$0x0] =	vst v0  }
0x33: {  	s21 =	sor.u32 $0x380, s19;
	v0 =	vld [tilespmem:s20+$0x80]  }
0x34: {  	v1 =	vld [tilespmem:s21+$0x80]  }
0x35: {  	s22 =	sor.u32 $0x300, s19;
	v2 =	vld [tilespmem:s20+$0x100]  }
0x36: {  	v3 =	vld [tilespmem:s22+$0x80]  }
0x37: {  	s23 =	sor.u32 $0x280, s19;
	v4 =	vld [tilespmem:s20+$0x180]  }
0x38: {  	v5 =	vld [tilespmem:s23+$0x80]  }
0x39: {  	s9 =	sor.u32 $0x200, s19;
	v6 =	vld [tilespmem:s20+$0x200]  }
0x3a: {  	v7 =	vld [tilespmem:s9+$0x80]  }
0x3b: {  	v55 =	vld [tilespmem:s20+$0x1080]  }
0x3c: {  	v0 =	vld.idx.msk [tilespmem:v0+s3+$0x0], $0xffff  }
0x3d: {  	v56 =	vld [tilespmem:s20+$0x1100]  }
0x3e: {  	v2 =	vld.idx.msk [tilespmem:v2+s3+$0x0], $0xffff  }
0x3f: {  	v57 =	vld [tilespmem:s20+$0x1180]  }
0x40: {  	v4 =	vld.idx.msk [tilespmem:v4+s3+$0x0], $0xffff  }
0x41: {  	v58 =	vld [tilespmem:s20+$0x1200];
	v0 =	vmul.f32 v0, v55  }
0x42: {  	v6 =	vld.idx.msk [tilespmem:v6+s3+$0x0], $0xffff  }
0x43: {  	v59 =	vld [tilespmem:s9+$0x1080];
	v2 =	vmul.f32 v2, v56;
	v0 =	vadd.f32 $0.0e+00, v0  }
0x44: {  	v7 =	vld.idx.msk [tilespmem:v7+s3+$0x0], $0xffff  }
0x45: {  	v0 =	vadd.f32 v2, v0;
	v2 =	vmul.f32 v4, v57;
	v4 =	vld.idx.msk [tilespmem:v5+s3+$0x0], $0xffff  }
0x46: {  	v5 =	vld [tilespmem:s23+$0x1080]  }
0x47: {  	v3 =	vld.idx.msk [tilespmem:v3+s3+$0x0], $0xffff;
	v0 =	vadd.f32 v2, v0;
	v2 =	vmul.f32 v6, v58  }
0x48: {  	v6 =	vld [tilespmem:s22+$0x1080]  }
0x49: {  	v1 =	vld.idx.msk [tilespmem:v1+s3+$0x0], $0xffff;
	v0 =	vadd.f32 v2, v0;
	v2 =	vmul.f32 v7, v59  }
0x4a: {  	v7 =	vld [tilespmem:s21+$0x1080]  }
0x4b: {  	v0 =	vadd.f32 v2, v0;
	v2 =	vmul.f32 v4, v5;
	_ =	sdelay $0x1  }
0x4c: {  	v0 =	vadd.f32 v2, v0;
	v2 =	vmul.f32 v3, v6;
	_ =	sdelay $0x1  }
0x4d: {  	v1 =	vmul.f32 v1, v7;
	v0 =	vadd.f32 v2, v0  }
0x4e: {  	s24 =	sand.u32 $0x180, s3  }
0x4f: {  	s11 =	sadd.s32 $0x2080, s24;
	v0 =	vadd.f32 v1, v0  }
0x50: {  	s25 =	sor.u32 $0x20, s4;
	s7 =	sor.u32 s18, s11  }
0x51: {  	s26 =	sor.u32 s5, s25;
	[tilespmem:s7+$0x0] =	vst v0  }
0x52: {  	v0 =	vld [tilespmem:s26+$0x80]  }
0x53: {  	v1 =	vld [tilespmem:s26+$0x100]  }
0x54: {  	s28 =	sadd.s32 $0x20, s6;
	v2 =	vld [tilespmem:s26+$0x180]  }
0x55: {  	s29 =	sor.u32 $0x280, s28;
	v3 =	vld [tilespmem:s26+$0x1200]  }
0x56: {  	v4 =	vld [tilespmem:s29+$0x80]  }
0x57: {  	s30 =	sor.u32 $0x200, s28;
	v5 =	vld [tilespmem:s26+$0x200]  }
0x58: {  	v6 =	vld [tilespmem:s30+$0x80]  }
0x59: {  	v7 =	vld [tilespmem:s26+$0x1080]  }
0x5a: {  	v60 =	vld [tilespmem:s26+$0x1100]  }
0x5b: {  	v0 =	vld.idx.msk [tilespmem:v0+s3+$0x0], $0xffff  }
0x5c: {  	v61 =	vld [tilespmem:s26+$0x1180]  }
0x5d: {  	v1 =	vld.idx.msk [tilespmem:v1+s3+$0x0], $0xffff  }
0x5e: {  	v62 =	vld [tilespmem:s30+$0x1080]  }
0x5f: {  	v2 =	vld.idx.msk [tilespmem:v2+s3+$0x0], $0xffff  }
0x60: {  	s31 =	sor.u32 $0x300, s28;
	v5 =	vld.idx.msk [tilespmem:v5+s3+$0x0], $0xffff;
	v0 =	vmul.f32 v0, v7  }
0x61: {  	s8 =	sor.u32 $0x380, s28;
	v7 =	vld [tilespmem:s31+$0x80]  }
0x62: {  	v63 =	vld [tilespmem:s8+$0x80];
	v1 =	vmul.f32 v1, v60;
	v0 =	vadd.f32 $0.0e+00, v0  }
0x63: {  	v6 =	vld.idx.msk [tilespmem:v6+s3+$0x0], $0xffff  }
0x64: {  	v4 =	vld.idx.msk [tilespmem:v4+s3+$0x0], $0xffff;
	v0 =	vadd.f32 v1, v0;
	v1 =	vmul.f32 v2, v61  }
0x65: {  	v2 =	vld [tilespmem:s29+$0x1080]  }
0x66: {  	v0 =	vadd.f32 v1, v0;
	v1 =	vmul.f32 v5, v3;
	_ =	sdelay $0x1  }
0x67: {  	v3 =	vmul.f32 v6, v62;
	v1 =	vadd.f32 v1, v0  }
0x68: {  	v0 =	vld.idx.msk [tilespmem:v7+s3+$0x0], $0xffff  }
0x69: {  	v4 =	vmul.f32 v4, v2;
	v3 =	vadd.f32 v3, v1;
	v1 =	vld [tilespmem:s31+$0x1080]  }
0x6a: {  	s6 =	sadd.s32 $0x30, s6;
	s15 =	sor.u32 s25, s11;
	s10 =	simm.s32 $0x0;
	v2 =	vld.idx.msk [tilespmem:v63+s3+$0x0], $0xffff  }
0x6b: {  	s9 =	simm.s32 $0x20C0;
	s7 =	simm.s32 $0x0;
	v3 =	vadd.f32 v4, v3;
	v4 =	vld [tilespmem:s8+$0x1080];
	s8 =	simm.s32 $0x40  }
.LBB2_1:
0x6c: {  	s7 =	sadd.s32 $0x4, s7;
	s10 =	sadd.s32 $0x200, s10;
	p0 =	por !p0, !p0  }
0x6d: {  	p1 =	slt.u32 s7, $0x1C  }
0x6e: {  	v0 =	vmul.f32 v0, v1;
	_ =	sdelay $0x1  }
0x6f: {  	v0 =	vadd.f32 v0, v3;
	v1 =	vmul.f32 v2, v4;
	_ =	sdelay $0x1  }
0x70: {  	s21 =	sor.u32 $0x30, s4;
	s4 =	sand.u32 $0x40, s8;
	s12 =	sand.u32 $0xC00, s10;
	v0 =	vadd.f32 v1, v0  }
0x71: {  	s14 =	sor.u32 $0x10, s4;
	s17 =	sor.u32 s4, s12;
	s13 =	sor.u32 s12, s8  }
0x72: {  	s22 =	sor.u32 s5, s21;
	s16 =	sor.u32 $0x180, s13;
	s13 =	sor.u32 $0x20, s4;
	[tilespmem:s15+$0x0] =	vst v0  }
0x73: {  	s5 =	smov.u32 s12;
	v0 =	vld [tilespmem:s22+$0x180]  }
0x74: {  	v1 =	vld [tilespmem:s22+$0x100]  }
0x75: {  	s12 =	simm.s32 $0x1;
	v2 =	vld [tilespmem:s22+$0x80]  }
0x76: {  	s23 =	sor.u32 $0x200, s6;
	s12 =	simm.s32 @!p0 $0x0;
	v3 =	vld [tilespmem:s22+$0x200]  }
0x77: {  	s12 =	sshll.u32 s12, $0x6;
	v4 =	vld [tilespmem:s23+$0x80]  }
0x78: {  	s25 =	sor.u32 $0x280, s6;
	s24 =	sadd.s32 s12, s10;
	v5 =	vld [tilespmem:s22+$0x1080]  }
0x79: {  	s20 =	sor.u32 $0x200, s24;
	s19 =	sor.u32 $0x280, s24;
	s18 =	sor.u32 $0x300, s24;
	v6 =	vld [tilespmem:s25+$0x80]  }
0x7a: {  	s12 =	sadd.s32 $0x20, s24;
	s15 =	sadd.s32 $0x10, s24;
	s24 =	sadd.s32 $0x30, s24;
	v7 =	vld [tilespmem:s22+$0x1100]  }
0x7b: {  	v0 =	vld.idx.msk [tilespmem:v0+s3+$0x0], $0xffff  }
0x7c: {  	v1 =	vld.idx.msk [tilespmem:v1+s3+$0x0], $0xffff  }
0x7d: {  	v2 =	vld.idx.msk [tilespmem:v2+s3+$0x0], $0xffff  }
0x7e: {  	v3 =	vld.idx.msk [tilespmem:v3+s3+$0x0], $0xffff  }
0x7f: {  	s26 =	sor.u32 $0x300, s6;
	v4 =	vld.idx.msk [tilespmem:v4+s3+$0x0], $0xffff  }
0x80: {  	v8 =	vld [tilespmem:s26+$0x80]  }
0x81: {  	v6 =	vld.idx.msk [tilespmem:v6+s3+$0x0], $0xffff  }
0x82: {  	s28 =	sor.u32 $0x380, s6;
	s6 =	smov.u32 s24;
	v1 =	vmul.f32 v1, v7;
	v7 =	vld [tilespmem:s22+$0x1180]  }
0x83: {  	v2 =	vmul.f32 v2, v5;
	v5 =	vld [tilespmem:s28+$0x80]  }
0x84: {  	v9 =	vld [tilespmem:s22+$0x1200]  }
0x85: {  	v2 =	vadd.f32 $0.0e+00, v2;
	v10 =	vld [tilespmem:s23+$0x1080]  }
0x86: {  	v11 =	vld [tilespmem:s25+$0x1080]  }
0x87: {  	v1 =	vadd.f32 v1, v2;
	v0 =	vmul.f32 v0, v7;
	v2 =	vld [tilespmem:s26+$0x1080]  }
0x88: {  	v7 =	vld.idx.msk [tilespmem:v8+s3+$0x0], $0xffff  }
0x89: {  	v0 =	vadd.f32 v0, v1;
	v1 =	vmul.f32 v3, v9;
	v3 =	vld [tilespmem:s28+$0x1080];
	_ =	sdelay $0x1  }
0x8a: {  	v0 =	vadd.f32 v1, v0;
	v1 =	vmul.f32 v4, v10;
	v4 =	vld.idx.msk [tilespmem:v5+s3+$0x0], $0xffff;
	_ =	sdelay $0x1  }
0x8b: {  	v0 =	vadd.f32 v1, v0;
	v1 =	vmul.f32 v6, v11;
	_ =	sdelay $0x1  }
0x8c: {  	v0 =	vadd.f32 v1, v0;
	v1 =	vmul.f32 v7, v2;
	_ =	sdelay $0x1  }
0x8d: {  	v0 =	vadd.f32 v1, v0;
	v1 =	vmul.f32 v4, v3;
	_ =	sdelay $0x1  }
0x8e: {  	v0 =	vadd.f32 v1, v0  }
0x8f: {  	s11 =	sor.u32 s21, s11  }
0x90: {  	[tilespmem:s11+$0x0] =	vst v0  }
0x91: {  	v0 =	vld [tilespmem:s17+$0x100]  }
0x92: {  	v1 =	vld [tilespmem:s17+$0x80]  }
0x93: {  	v2 =	vld [tilespmem:s16+$0x80]  }
0x94: {  	v3 =	vld [tilespmem:s19+$0x80]  }
0x95: {  	s11 =	sor.u32 s10, s8  }
0x96: {  	s11 =	sor.u32 $0x380, s11;
	v4 =	vld [tilespmem:s17+$0x180]  }
0x97: {  	v5 =	vld [tilespmem:s11+$0x80]  }
0x98: {  	v6 =	vld [tilespmem:s20+$0x80]  }
0x99: {  	v7 =	vld [tilespmem:s17+$0x1080]  }
0x9a: {  	v1 =	vld.idx.msk [tilespmem:v1+s3+$0x0], $0xffff  }
0x9b: {  	v8 =	vld [tilespmem:s17+$0x1100]  }
0x9c: {  	v0 =	vld.idx.msk [tilespmem:v0+s3+$0x0], $0xffff  }
0x9d: {  	v9 =	vld [tilespmem:s18+$0x80]  }
0x9e: {  	v4 =	vld.idx.msk [tilespmem:v4+s3+$0x0], $0xffff  }
0x9f: {  	v10 =	vld [tilespmem:s17+$0x1180]  }
0xa0: {  	v1 =	vmul.f32 v1, v7;
	v2 =	vld.idx.msk [tilespmem:v2+s3+$0x0], $0xffff  }
0xa1: {  	v7 =	vld [tilespmem:s16+$0x1080]  }
0xa2: {  	v1 =	vadd.f32 $0.0e+00, v1;
	v0 =	vmul.f32 v0, v8;
	v6 =	vld.idx.msk [tilespmem:v6+s3+$0x0], $0xffff  }
0xa3: {  	v8 =	vld [tilespmem:s20+$0x1080]  }
0xa4: {  	v0 =	vadd.f32 v0, v1;
	v1 =	vmul.f32 v4, v10;
	v3 =	vld.idx.msk [tilespmem:v3+s3+$0x0], $0xffff  }
0xa5: {  	v4 =	vld [tilespmem:s19+$0x1080]  }
0xa6: {  	v0 =	vadd.f32 v1, v0;
	v1 =	vmul.f32 v2, v7;
	v2 =	vld.idx.msk [tilespmem:v9+s3+$0x0], $0xffff  }
0xa7: {  	v7 =	vld [tilespmem:s18+$0x1080]  }
0xa8: {  	v0 =	vadd.f32 v1, v0;
	v1 =	vmul.f32 v6, v8;
	v5 =	vld.idx.msk [tilespmem:v5+s3+$0x0], $0xffff  }
0xa9: {  	v6 =	vld [tilespmem:s11+$0x1080]  }
0xaa: {  	v0 =	vadd.f32 v1, v0;
	v1 =	vmul.f32 v3, v4;
	_ =	sdelay $0x1  }
0xab: {  	v0 =	vadd.f32 v1, v0;
	v1 =	vmul.f32 v2, v7;
	_ =	sdelay $0x1  }
0xac: {  	v0 =	vadd.f32 v1, v0;
	v1 =	vmul.f32 v5, v6;
	_ =	sdelay $0x1  }
0xad: {  	v0 =	vadd.f32 v1, v0;
	_ =	sdelay $0x1  }
0xae: {  	s11 =	sor.u32 s5, s14;
	[tilespmem:s9+$0x0] =	vst v0  }
0xaf: {  	s16 =	sor.u32 $0x380, s15;
	v0 =	vld [tilespmem:s11+$0x80]  }
0xb0: {  	v1 =	vld [tilespmem:s16+$0x80]  }
0xb1: {  	s17 =	sor.u32 $0x300, s15;
	v2 =	vld [tilespmem:s11+$0x100]  }
0xb2: {  	v3 =	vld [tilespmem:s17+$0x80]  }
0xb3: {  	s18 =	sor.u32 $0x280, s15;
	v4 =	vld [tilespmem:s11+$0x180]  }
0xb4: {  	v5 =	vld [tilespmem:s18+$0x80]  }
0xb5: {  	s15 =	sor.u32 $0x200, s15;
	v6 =	vld [tilespmem:s11+$0x200]  }
0xb6: {  	v7 =	vld [tilespmem:s15+$0x80]  }
0xb7: {  	v0 =	vld.idx.msk [tilespmem:v0+s3+$0x0], $0xffff  }
0xb8: {  	v8 =	vld [tilespmem:s11+$0x1080]  }
0xb9: {  	v2 =	vld.idx.msk [tilespmem:v2+s3+$0x0], $0xffff  }
0xba: {  	v9 =	vld [tilespmem:s11+$0x1100]  }
0xbb: {  	v4 =	vld.idx.msk [tilespmem:v4+s3+$0x0], $0xffff  }
0xbc: {  	v10 =	vld [tilespmem:s11+$0x1180]  }
0xbd: {  	v0 =	vmul.f32 v0, v8;
	v6 =	vld.idx.msk [tilespmem:v6+s3+$0x0], $0xffff  }
0xbe: {  	v8 =	vld [tilespmem:s11+$0x1200]  }
0xbf: {  	v0 =	vadd.f32 $0.0e+00, v0;
	v2 =	vmul.f32 v2, v9;
	v7 =	vld.idx.msk [tilespmem:v7+s3+$0x0], $0xffff  }
0xc0: {  	v9 =	vld [tilespmem:s15+$0x1080]  }
0xc1: {  	v0 =	vadd.f32 v2, v0;
	v2 =	vmul.f32 v4, v10;
	v4 =	vld.idx.msk [tilespmem:v5+s3+$0x0], $0xffff  }
0xc2: {  	v5 =	vld [tilespmem:s18+$0x1080]  }
0xc3: {  	v0 =	vadd.f32 v2, v0;
	v2 =	vmul.f32 v6, v8;
	v3 =	vld.idx.msk [tilespmem:v3+s3+$0x0], $0xffff  }
0xc4: {  	v6 =	vld [tilespmem:s17+$0x1080]  }
0xc5: {  	v0 =	vadd.f32 v2, v0;
	v2 =	vmul.f32 v7, v9;
	v1 =	vld.idx.msk [tilespmem:v1+s3+$0x0], $0xffff  }
0xc6: {  	v7 =	vld [tilespmem:s16+$0x1080]  }
0xc7: {  	v0 =	vadd.f32 v2, v0;
	v2 =	vmul.f32 v4, v5;
	_ =	sdelay $0x1  }
0xc8: {  	v0 =	vadd.f32 v2, v0;
	v2 =	vmul.f32 v3, v6;
	_ =	sdelay $0x1  }
0xc9: {  	v0 =	vadd.f32 v2, v0;
	v1 =	vmul.f32 v1, v7  }
0xca: {  	s11 =	sand.u32 $0x180, s8  }
0xcb: {  	s11 =	sadd.s32 $0x2080, s11;
	v0 =	vadd.f32 v1, v0  }
0xcc: {  	s14 =	sor.u32 s14, s11;
	s15 =	sor.u32 s13, s11  }
0xcd: {  	s13 =	sor.u32 s5, s13;
	[tilespmem:s14+$0x0] =	vst v0  }
0xce: {  	v0 =	vld [tilespmem:s13+$0x80]  }
0xcf: {  	v1 =	vld [tilespmem:s13+$0x100]  }
0xd0: {  	v2 =	vld [tilespmem:s13+$0x180]  }
0xd1: {  	s14 =	sor.u32 $0x280, s12;
	v3 =	vld [tilespmem:s13+$0x1200]  }
0xd2: {  	v4 =	vld [tilespmem:s14+$0x80]  }
0xd3: {  	v5 =	vld [tilespmem:s13+$0x1080]  }
0xd4: {  	s16 =	sor.u32 $0x200, s12;
	v6 =	vld [tilespmem:s13+$0x200]  }
0xd5: {  	v7 =	vld [tilespmem:s16+$0x80]  }
0xd6: {  	v0 =	vld.idx.msk [tilespmem:v0+s3+$0x0], $0xffff  }
0xd7: {  	v1 =	vld.idx.msk [tilespmem:v1+s3+$0x0], $0xffff  }
0xd8: {  	v2 =	vld.idx.msk [tilespmem:v2+s3+$0x0], $0xffff  }
0xd9: {  	v8 =	vld [tilespmem:s13+$0x1100]  }
0xda: {  	v4 =	vld.idx.msk [tilespmem:v4+s3+$0x0], $0xffff  }
0xdb: {  	v9 =	vld [tilespmem:s13+$0x1180]  }
0xdc: {  	v0 =	vmul.f32 v0, v5;
	v5 =	vld.idx.msk [tilespmem:v6+s3+$0x0], $0xffff  }
0xdd: {  	s13 =	sor.u32 $0x300, s12;
	v6 =	vld.idx.msk [tilespmem:v7+s3+$0x0], $0xffff  }
0xde: {  	v0 =	vadd.f32 $0.0e+00, v0;
	v1 =	vmul.f32 v1, v8;
	v7 =	vld [tilespmem:s13+$0x80]  }
0xdf: {  	s12 =	sor.u32 $0x380, s12;
	v8 =	vld [tilespmem:s16+$0x1080]  }
0xe0: {  	v0 =	vadd.f32 v1, v0;
	v1 =	vmul.f32 v2, v9;
	v2 =	vld [tilespmem:s12+$0x80]  }
0xe1: {  	v9 =	vld [tilespmem:s14+$0x1080]  }
0xe2: {  	v0 =	vadd.f32 v1, v0;
	v1 =	vmul.f32 v5, v3;
	_ =	sdelay $0x1  }
0xe3: {  	v0 =	vadd.f32 v1, v0;
	v1 =	vmul.f32 v6, v8  }
.Ltmp0:
0xe4: {  	(pc) =	sbr.rel @p1 .LBB2_1-.Ltmp0, $4  }
0xe5: {  	v3 =	vadd.f32 v1, v0;
	v4 =	vmul.f32 v4, v9;
	v0 =	vld.idx.msk [tilespmem:v7+s3+$0x0], $0xffff  }
0xe6: {  	v1 =	vld [tilespmem:s13+$0x1080]  }
0xe7: {  	v3 =	vadd.f32 v4, v3;
	v2 =	vld.idx.msk [tilespmem:v2+s3+$0x0], $0xffff  }
0xe8: {  	s9 =	sadd.s32 $0x40, s9;
	s8 =	sadd.s32 $0x40, s8;
	v4 =	vld [tilespmem:s12+$0x1080]  }
0xe9: {  	_ =	sdelay $0x1  }
0xea: {  	v0 =	vmul.f32 v0, v1;
	_ =	sdelay $0x1  }
0xeb: {  	v0 =	vadd.f32 v0, v3;
	v47 =	vmul.f32 v2, v4;
	_ =	sdelay $0x1  }
0xec: {  	v0 =	vadd.f32 v47, v0  }
0xed: {  	s4 =	sor.u32 $0x30, s4  }
0xee: {  	s5 =	sor.u32 s5, s4;
	[tilespmem:s15+$0x0] =	vst v0  }
0xef: {  	v0 =	vld [tilespmem:s5+$0x180]  }
0xf0: {  	v48 =	vld [tilespmem:s5+$0x80]  }
0xf1: {  	v49 =	vld [tilespmem:s5+$0x100]  }
0xf2: {  	s7 =	sor.u32 $0x200, s6;
	v50 =	vld [tilespmem:s5+$0x200]  }
0xf3: {  	v51 =	vld [tilespmem:s7+$0x80]  }
0xf4: {  	s8 =	sor.u32 $0x280, s6;
	v5 =	vld [tilespmem:s5+$0x1080]  }
0xf5: {  	v6 =	vld [tilespmem:s8+$0x80]  }
0xf6: {  	s9 =	sor.u32 $0x300, s6;
	v7 =	vld [tilespmem:s5+$0x1100]  }
0xf7: {  	v8 =	vld [tilespmem:s9+$0x80]  }
0xf8: {  	v1 =	vld.idx.msk [tilespmem:v48+s3+$0x0], $0xffff  }
0xf9: {  	v9 =	vld [tilespmem:s5+$0x1180]  }
0xfa: {  	s25 =	sor.u32 $0x380, s6;
	v2 =	vld.idx.msk [tilespmem:v49+s3+$0x0], $0xffff  }
0xfb: {  	v52 =	vld [tilespmem:s25+$0x80]  }
0xfc: {  	v0 =	vld.idx.msk [tilespmem:v0+s3+$0x0], $0xffff  }
0xfd: {  	v10 =	vld [tilespmem:s5+$0x1200];
	v1 =	vmul.f32 v1, v5  }
0xfe: {  	v3 =	vld.idx.msk [tilespmem:v50+s3+$0x0], $0xffff  }
0xff: {  	v53 =	vld [tilespmem:s7+$0x1080];
	v2 =	vmul.f32 v2, v7;
	v1 =	vadd.f32 $0.0e+00, v1  }
0x100: {  	v4 =	vld.idx.msk [tilespmem:v51+s3+$0x0], $0xffff  }
0x101: {  	v54 =	vld [tilespmem:s8+$0x1080];
	v0 =	vmul.f32 v0, v9;
	v1 =	vadd.f32 v2, v1  }
0x102: {  	v6 =	vld.idx.msk [tilespmem:v6+s3+$0x0], $0xffff  }
0x103: {  	v55 =	vld [tilespmem:s9+$0x1080];
	v56 =	vmul.f32 v3, v10;
	v0 =	vadd.f32 v0, v1  }
0x104: {  	v57 =	vld.idx.msk [tilespmem:v8+s3+$0x0], $0xffff  }
0x105: {  	v58 =	vld [tilespmem:s25+$0x1080];
	v59 =	vmul.f32 v4, v53;
	v0 =	vadd.f32 v56, v0  }
0x106: {  	v60 =	vld.idx.msk [tilespmem:v52+s3+$0x0], $0xffff  }
0x107: {  	v61 =	vmul.f32 v6, v54;
	v0 =	vadd.f32 v59, v0;
	_ =	sdelay $0x1  }
0x108: {  	v62 =	vmul.f32 v57, v55;
	v0 =	vadd.f32 v61, v0;
	_ =	sdelay $0x1  }
0x109: {  	v63 =	vmul.f32 v60, v58;
	v0 =	vadd.f32 v62, v0;
	_ =	sdelay $0x1  }
0x10a: {  	v0 =	vadd.f32 v63, v0  }
0x10b: {  	s28 =	sshll.u32 s1, $0x6;
	s29 =	simm.s32 $0x0;
	s26 =	sor.u32 s4, s11  }
0x10c: {  	s30 =	simm.s32 $0x2080;
	s31 =	simm.s32 $0x4;
	s2 =	sadd.s32 s2, s28;
	[tilespmem:s26+$0x0] =	vst v0  }
0x10d: {  	[hbm4b:s2+s29] =	stream.linear.scatter [tilespmem:s30], [sflag:$0x4], $0x200, $0x38;
	[tilespmem:$0x2280] =	vst v63  }
0x10e: {  	_ =	swait.ge [sflag:s31], $0x200  }
0x10f: {  	[sflag:s31] =	ssyncset.done $0x0  }
0x110: {  	[sflag:s31] =	ssyncadd.s32 $0xFFFFFE00  }
0x111: {  	_ =	sfence.sel $0x180000  }
0x112: {  	[bflag:$0x0] =	sbarrier.arrive $0xFFFF  }
0x113: {  	p0 =	sne.s32 s1, $0x0;
	_ =	strace $0x90000047  }
0x114: {  	s0 =	sadd.s32 @!p0 $0x100000, s0;
	[bflag:$0x2] =	sbarrier.arrive $0xFFFF  }
0x115: {  	[sflag:s0] =	ssyncadd.tile.s32 @!p0 $0x1;
	_ =	shalt  }
.Lfunc_end2:
_tile_overlayer_lowered:
.L_overlay_start_2:
0x116: {  	(tag) =	ssettag $0x2  }
0x117: {  	s0 =	rddreg [dreg:$0x0];
	s2 =	stileid.u32  }
0x118: {  	s1 =	rddreg [dreg:$0x1];
	p0 =	sne.s32 s2, $0x0  }
0x119: {  	s3 =	rddreg [dreg:$0x2];
	[bflag:$0x3] =	sbarrier.arrive $0xFFFF;
	s2 =	simm.s32 @!p0 $0x1C04  }
0x11a: {  	[timem:s3], [sflag:s2] =	dma.local @!p0 [hbm:s0], s1  }
0x11b: {  	s0 =	simm.s32 @!p0 $0x4  }
0x11c: {  	_ =	swait.ge @!p0 [sflag:s0], s1  }
0x11d: {  	s1 =	ssub.s32 @!p0 $0x0, s1;
	[sflag:s0] =	ssyncset.done @!p0 $0x0  }
0x11e: {  	[sflag:s0] =	ssyncadd.s32 @!p0 s1  }
0x11f: {  	[bflag:$0x3] =	sbarrier.arrive $0xFFFF  }
0x120: {  	_ =	shalt  }

</sc_bundles>
